<compile_context>
chip_gen: v7x
topology: tpu7x:2x2x1
jax: 0.10.2.dev20260603
libtpu: 0.0.44.dev20260713+nightly
codegen_flags: <defaults>
</compile_context>

<pallas_src>
import functools

import jax
import jax.numpy as jnp
from jax import lax
from jax.experimental import pallas as pl
from jax.experimental.pallas import tpu as pltpu
from jax.experimental.pallas import tpu_sc as plsc

K = 8192
D = 32
N_ROWS = 8 * 1024
RT = 512
CT = 1024
LOSS_SCALE = 1.25 / (N_ROWS * D)

SC_CORES = 2
SC_SUBCORES = 16
SC_WORKERS = SC_CORES * SC_SUBCORES
ROWS_PER_WORKER = N_ROWS // SC_WORKERS


def _vq_body(x_ref, cb_ref, a2_ref, b2_ref, idx_ref, loss_ref):
    i = pl.program_id(0)
    xm2 = -2.0 * x_ref[...]
    a2 = a2_ref[...]

    run_min = jnp.full((RT, 1), jnp.inf, jnp.float32)
    run_idx = jnp.zeros((RT, 1), jnp.float32)
    lanes = lax.broadcasted_iota(jnp.int32, (RT, 128), 1).astype(jnp.float32)
    G = CT // 128
    for j in range(K // CT):
        c = cb_ref[pl.ds(j * CT, CT), :]
        b2 = b2_ref[:, pl.ds(j * CT, CT)]
        nab2 = lax.dot_general(xm2, c, (((1,), (1,)), ((), ())),
                               preferred_element_type=jnp.float32)
        d = (a2 + nab2) + b2
        mval = d[:, 0:128]
        midx = jnp.zeros((RT, 128), jnp.float32)
        for g in range(1, G):
            v = d[:, g * 128:(g + 1) * 128]
            keep = mval <= v
            mval = jnp.minimum(mval, v)
            midx = jnp.where(keep, midx, float(g))
        tmin = jnp.min(mval, axis=1, keepdims=True)
        gcol = midx * 128.0 + lanes
        tidx = jnp.min(jnp.where(mval == tmin, gcol, float(CT)),
                       axis=1, keepdims=True)
        better = tmin < run_min
        run_min = jnp.where(better, tmin, run_min)
        run_idx = jnp.where(better, tidx + float(j * CT), run_idx)

    idx_ref[...] = run_idx.astype(jnp.int32)
    part = jnp.sum(run_min) * LOSS_SCALE

    @pl.when(i == 0)
    def _():
        loss_ref[0, 0] = 0.0

    loss_ref[0, 0] += part


def _vq_argmin(flat, codebook, a2, b2):
    n_rows = flat.shape[0]
    return pl.pallas_call(
        _vq_body,
        grid=(n_rows // RT,),
        in_specs=[
            pl.BlockSpec((RT, D), lambda i: (i, 0)),
            pl.BlockSpec((K, D), lambda i: (0, 0)),
            pl.BlockSpec((RT, 1), lambda i: (i, 0)),
            pl.BlockSpec((1, K), lambda i: (0, 0)),
        ],
        out_specs=[
            pl.BlockSpec((RT, 1), lambda i: (i, 0)),
            pl.BlockSpec((1, 1), lambda i: (0, 0), memory_space=pltpu.SMEM),
        ],
        out_shape=[
            jax.ShapeDtypeStruct((n_rows, 1), jnp.int32),
            jax.ShapeDtypeStruct((1, 1), jnp.float32),
        ],
    )(flat, codebook, a2, b2)


def _sc_gather(codebook, idx_flat):
    n_rows = idx_flat.shape[0]
    per_w = n_rows // SC_WORKERS
    mesh = plsc.VectorSubcoreMesh(core_axis_name="c", subcore_axis_name="s")

    @functools.partial(
        pl.kernel,
        mesh=mesh,
        out_type=jax.ShapeDtypeStruct((n_rows, D), jnp.float32),
        scratch_types=[
            pltpu.VMEM((per_w,), jnp.int32),
            pltpu.VMEM((per_w, D), jnp.float32),
            pltpu.SemaphoreType.DMA,
        ],
        compiler_params=pltpu.CompilerParams(use_tc_tiling_on_sc=False),
    )
    def gather(table_hbm, idx_hbm, out_hbm, idx_v, rows_v, sem):
        wid = lax.axis_index("s") * SC_CORES + lax.axis_index("c")
        base = wid * per_w
        pltpu.sync_copy(idx_hbm.at[pl.ds(base, per_w)], idx_v)
        pltpu.async_copy(table_hbm.at[idx_v], rows_v, sem).wait()
        pltpu.sync_copy(rows_v, out_hbm.at[pl.ds(base, per_w)])

    return gather(codebook, idx_flat)


def kernel(x, codebook):
    x = jnp.asarray(x, jnp.float32)
    codebook = jnp.asarray(codebook, jnp.float32)
    flat = jnp.reshape(x, (N_ROWS, D))
    a2 = jnp.sum(flat ** 2, axis=1, keepdims=True)
    b2 = jnp.sum(codebook ** 2, axis=1)[None, :]

    idx2d, loss11 = _vq_argmin(flat, codebook, a2, b2)
    idx_flat = jnp.reshape(idx2d, (N_ROWS,))
    quantized = jnp.reshape(_sc_gather(codebook, idx_flat), x.shape)

    loss = loss11[0, 0]
    encoding_indices = jnp.reshape(idx_flat, x.shape[:-1])
    return (quantized, loss, encoding_indices)

# --- scband reference (transcript-rebuilt; emitter-appended) ---
"""Pipeline reference for scband-vector-quantizer-6253472383384 (READ-ONLY COPY).

The authoritative reference and input builder live on the scoring server;
editing this copy changes nothing except your own understanding.
"""

import jax, jax.numpy as jnp
import numpy as np

CODEBOOK_SIZE = 8192
CODE_DIM = 32
COMMITMENT_COST = 0.25


def setup_inputs(seed: int = 0) -> dict:
    key = jax.random.key(seed)
    kx, kc = jax.random.split(key)
    x = jax.random.normal(kx, (8, 1024, CODE_DIM), dtype=jnp.float32)
    # variance_scaling(scale=1.0, mode='fan_in', distribution='uniform') on (K, d): fan_in = d
    limit = jnp.sqrt(3.0 / CODE_DIM)
    codebook = jax.random.uniform(kc, (CODEBOOK_SIZE, CODE_DIM), dtype=jnp.float32, minval=-limit, maxval=limit)
    return {"x": x, "codebook": codebook}


def _squared_euclidean_distance(a, b):
    a2 = jnp.sum(a ** 2, axis=1, keepdims=True)
    b2 = jnp.sum(b ** 2, axis=1)[None, :]
    ab = jnp.matmul(a, b.T)
    return a2 - 2.0 * ab + b2


def reference(x, codebook):
    codebook = jnp.asarray(codebook, dtype=jnp.float32)
    flat = jnp.reshape(x, (-1, x.shape[-1]))
    distances = jnp.reshape(
        _squared_euclidean_distance(flat, codebook),
        x.shape[:-1] + (CODEBOOK_SIZE,),
    )
    encoding_indices = jnp.argmin(distances, axis=-1)
    encodings = jax.nn.one_hot(encoding_indices, CODEBOOK_SIZE, dtype=jnp.float32)
    quantized = jnp.dot(encodings, codebook)
    e_latent_loss = jnp.mean((jax.lax.stop_gradient(quantized) - x) ** 2) * COMMITMENT_COST
    q_latent_loss = jnp.mean((quantized - jax.lax.stop_gradient(x)) ** 2)
    loss = jnp.asarray(e_latent_loss, jnp.float32) + jnp.asarray(q_latent_loss, jnp.float32)
    quantized_st = x + jax.lax.stop_gradient(quantized - x)
    return (quantized_st, loss, encoding_indices)

if __name__ == "__main__":
    import jax
    _d = setup_inputs()
    print(jax.jit(kernel)(*tuple(_d.values())))

</pallas_src>

<mosaic_0001>
#map = affine_map<(d0, d1) -> (0, 0)>
#map1 = affine_map<(d0, d1) -> (0)>
module attributes {stable_mosaic.version = 14 : i64} {
  func.func @gather(%arg0: i32, %arg1: i32, %arg2: memref<8192x32xf32, #tpu.memory_space<hbm>>, %arg3: memref<8192xi32, #tpu.memory_space<hbm>>, %arg4: memref<8192x32xf32, #tpu.memory_space<hbm>>, %arg5: memref<256xi32, #tpu.memory_space<vmem>>, %arg6: memref<256x32xf32, #tpu.memory_space<vmem>>, %arg7: memref<!tpu.dma_semaphore, #tpu.memory_space<semaphore_mem>>) attributes {dimension_semantics = [#tpu.dimension_semantics<core_parallel>, #tpu.dimension_semantics<subcore_parallel>], iteration_bounds = array<i64: 2, 16>, scalar_prefetch = 0 : i64, scratch_operands = 3 : i64, tpu.core_type = #tpu.core_type<sc_vector_subcore>, window_params = [{transform_indices = #map}, {transform_indices = #map1}, {transform_indices = #map}]} {
    %mul3A = arith.constant 2 : i32
    %mul3A_0 = arith.muli %arg1, %mul3A : i32
    %add3A = arith.addi %mul3A_0, %arg0 : i32
    %mul3A_1 = arith.constant 256 : i32
    %mul3A_2 = arith.muli %add3A, %mul3A_1 : i32
    "tpu.region"() ({
      %run_scoped3A = tpu.sem_alloc : memref<!tpu.dma_semaphore, #tpu.memory_space<semaphore_mem>>
      %dma_start3A_7 = tpu.memref_slice %arg3[%mul3A_2] : memref<8192xi32, #tpu.memory_space<hbm>> -> memref<256xi32, #tpu.memory_space<hbm>>
      %dma_start3A_8 = tpu.memref_slice %arg3[%mul3A_2] : memref<8192xi32, #tpu.memory_space<hbm>> -> memref<256xi32, #tpu.memory_space<hbm>>
      tpu.enqueue_dma source(%dma_start3A_8 : memref<256xi32, #tpu.memory_space<hbm>>) target(%arg5 : memref<256xi32, #tpu.memory_space<vmem>>) target_semaphore(%run_scoped3A : memref<!tpu.dma_semaphore, #tpu.memory_space<semaphore_mem>>)
      %dma_wait3A_9 = tpu.memref_slice %arg3[%mul3A_2] : memref<8192xi32, #tpu.memory_space<hbm>> -> memref<256xi32, #tpu.memory_space<hbm>>
      %dma_wait3A_10 = tpu.memref_slice %arg3[%mul3A_2] : memref<8192xi32, #tpu.memory_space<hbm>> -> memref<256xi32, #tpu.memory_space<hbm>>
      tpu.wait_dma2 semaphore(%run_scoped3A : memref<!tpu.dma_semaphore, #tpu.memory_space<semaphore_mem>>) src(%dma_wait3A_10 : memref<256xi32, #tpu.memory_space<hbm>>) dst(%arg5 : memref<256xi32, #tpu.memory_space<vmem>>)
      tpu.yield
    }) : () -> ()
    %dma_start3A = arith.constant 0 : i32
    %dma_start3A_3 = arith.constant 0 : i32
    %dma_start3A_4 = tpu.memref_slice %arg2[%dma_start3A, %dma_start3A_3] : memref<8192x32xf32, #tpu.memory_space<hbm>> -> memref<8192x32xf32, #tpu.memory_space<hbm>>
    tpu.enqueue_indirect_dma source(%dma_start3A_4 : memref<8192x32xf32, #tpu.memory_space<hbm>>) target(%arg6 : memref<256x32xf32, #tpu.memory_space<vmem>>) offsets(%arg5 : memref<256xi32, #tpu.memory_space<vmem>>) semaphore(%arg7 : memref<!tpu.dma_semaphore, #tpu.memory_space<semaphore_mem>>)
    %dma_wait3A = arith.constant 0 : i32
    %dma_wait3A_5 = arith.constant 0 : i32
    %dma_wait3A_6 = tpu.memref_slice %arg2[%dma_wait3A, %dma_wait3A_5] : memref<8192x32xf32, #tpu.memory_space<hbm>> -> memref<8192x32xf32, #tpu.memory_space<hbm>>
    tpu.wait_indirect_dma semaphore(%arg7 : memref<!tpu.dma_semaphore, #tpu.memory_space<semaphore_mem>>) src(%dma_wait3A_6 : memref<8192x32xf32, #tpu.memory_space<hbm>>) dst(%arg6 : memref<256x32xf32, #tpu.memory_space<vmem>>)
    "tpu.region"() ({
      %run_scoped3A = tpu.sem_alloc : memref<!tpu.dma_semaphore, #tpu.memory_space<semaphore_mem>>
      %dma_start3A_7 = arith.constant 0 : i32
      %dma_start3A_8 = tpu.memref_slice %arg4[%mul3A_2, %dma_start3A_7] : memref<8192x32xf32, #tpu.memory_space<hbm>> -> memref<256x32xf32, #tpu.memory_space<hbm>>
      %dma_start3A_9 = arith.constant 0 : i32
      %dma_start3A_10 = tpu.memref_slice %arg4[%mul3A_2, %dma_start3A_9] : memref<8192x32xf32, #tpu.memory_space<hbm>> -> memref<256x32xf32, #tpu.memory_space<hbm>>
      tpu.enqueue_dma source(%arg6 : memref<256x32xf32, #tpu.memory_space<vmem>>) target(%dma_start3A_10 : memref<256x32xf32, #tpu.memory_space<hbm>>) target_semaphore(%run_scoped3A : memref<!tpu.dma_semaphore, #tpu.memory_space<semaphore_mem>>)
      %dma_wait3A_11 = arith.constant 0 : i32
      %dma_wait3A_12 = tpu.memref_slice %arg4[%mul3A_2, %dma_wait3A_11] : memref<8192x32xf32, #tpu.memory_space<hbm>> -> memref<256x32xf32, #tpu.memory_space<hbm>>
      %dma_wait3A_13 = arith.constant 0 : i32
      %dma_wait3A_14 = tpu.memref_slice %arg4[%mul3A_2, %dma_wait3A_13] : memref<8192x32xf32, #tpu.memory_space<hbm>> -> memref<256x32xf32, #tpu.memory_space<hbm>>
      tpu.wait_dma2 semaphore(%run_scoped3A : memref<!tpu.dma_semaphore, #tpu.memory_space<semaphore_mem>>) src(%arg6 : memref<256x32xf32, #tpu.memory_space<vmem>>) dst(%dma_wait3A_14 : memref<256x32xf32, #tpu.memory_space<hbm>>)
      tpu.yield
    }) : () -> ()
    return
  }
}

module attributes {stable_mosaic.version = 14 : i64} {
  func.func @_vq_body(%arg0: i32, %arg1: memref<512x32xf32, #tpu.memory_space<vmem>>, %arg2: memref<8192x32xf32, #tpu.memory_space<vmem>>, %arg3: memref<512x1xf32, #tpu.memory_space<vmem>>, %arg4: memref<1x8192xf32, #tpu.memory_space<vmem>>, %arg5: memref<512x1xi32, #tpu.memory_space<vmem>>, %arg6: memref<1x1xf32, #tpu.memory_space<smem>>) attributes {dimension_semantics = [#tpu.dimension_semantics<arbitrary>], iteration_bounds = array<i64: 16>, scalar_prefetch = 0 : i64, scratch_operands = 0 : i64, tpu.core_type = #tpu.core_type<tc>, window_params = [{transform_indices = @transform_0, window_bounds = array<i64: 512, 32>}, {pipeline_mode = #tpu.pipeline_mode<synchronous>, transform_indices = @transform_1, window_bounds = array<i64: 8192, 32>}, {transform_indices = @transform_2, window_bounds = array<i64: 512, 1>}, {pipeline_mode = #tpu.pipeline_mode<synchronous>, transform_indices = @transform_3, window_bounds = array<i64: 1, 8192>}, {transform_indices = @transform_4, window_bounds = array<i64: 512, 1>}, {transform_indices = @transform_5, window_bounds = array<i64: 1, 1>}]} {
    %get3A = arith.constant 0 : index
    %get3A_0 = arith.constant 0 : index
    %get3A_1 = vector.load %arg1[%get3A, %get3A_0] : memref<512x32xf32, #tpu.memory_space<vmem>>, vector<512x32xf32>
    %mul3A = arith.constant -2.000000e+00 : f32
    %mul3A_2 = vector.broadcast %mul3A : f32 to vector<512x32xf32>
    %mul3A_3 = arith.mulf %mul3A_2, %get3A_1 : vector<512x32xf32>
    %get3A_4 = arith.constant 0 : index
    %get3A_5 = arith.constant 0 : index
    %get3A_6 = vector.load %arg3[%get3A_4, %get3A_5] : memref<512x1xf32, #tpu.memory_space<vmem>>, vector<512x1xf32>
    %broadcast_in_dim3A = arith.constant 0x7F800000 : f32
    %broadcast_in_dim3A_7 = vector.broadcast %broadcast_in_dim3A : f32 to vector<512x1xf32>
    %broadcast_in_dim3A_8 = arith.constant 0.000000e+00 : f32
    %broadcast_in_dim3A_9 = vector.broadcast %broadcast_in_dim3A_8 : f32 to vector<512x1xf32>
    %iota3A = tpu.iota {dimensions = array<i32: 1>} : vector<512x128xi32>
    %convert_element_type3A = arith.sitofp %iota3A : vector<512x128xi32> to vector<512x128xf32>
    %get3A_10 = arith.constant 0 : index
    %get3A_11 = arith.constant 0 : index
    %get3A_12 = vector.load %arg2[%get3A_10, %get3A_11] : memref<8192x32xf32, #tpu.memory_space<vmem>>, vector<1024x32xf32>
    %get3A_13 = arith.constant 0 : index
    %get3A_14 = arith.constant 0 : index
    %get3A_15 = vector.load %arg4[%get3A_13, %get3A_14] : memref<1x8192xf32, #tpu.memory_space<vmem>>, vector<1x1024xf32>
    %dot_general3A = arith.constant dense<0.000000e+00> : vector<512x1024xf32>
    %dot_general3A_16 = tpu.matmul %mul3A_3, %get3A_12, %dot_general3A {dimension_numbers = #tpu.dot_dimension_numbers<[1], [1], [0], [0], [0, 0, 1, 0], [], []>, transpose_lhs_hint = false} : vector<512x32xf32>, vector<1024x32xf32>, vector<512x1024xf32> -> vector<512x1024xf32>
    %add3A = vector.broadcast %get3A_6 : vector<512x1xf32> to vector<512x1024xf32>
    %add3A_17 = arith.addf %add3A, %dot_general3A_16 : vector<512x1024xf32>
    %add3A_18 = vector.broadcast %get3A_15 : vector<1x1024xf32> to vector<512x1024xf32>
    %add3A_19 = arith.addf %add3A_17, %add3A_18 : vector<512x1024xf32>
    %slice3A = vector.extract_strided_slice %add3A_19 {offsets = [0, 0], sizes = [512, 128], strides = [1, 1]} : vector<512x1024xf32> to vector<512x128xf32>
    %broadcast_in_dim3A_20 = arith.constant 0.000000e+00 : f32
    %broadcast_in_dim3A_21 = vector.broadcast %broadcast_in_dim3A_20 : f32 to vector<512x128xf32>
    %slice3A_22 = vector.extract_strided_slice %add3A_19 {offsets = [0, 128], sizes = [512, 128], strides = [1, 1]} : vector<512x1024xf32> to vector<512x128xf32>
    %le3A = arith.cmpf ole, %slice3A, %slice3A_22 : vector<512x128xf32>
    %min3A = arith.minimumf %slice3A, %slice3A_22 : vector<512x128xf32>
    %jit3A = arith.constant 1.000000e+00 : f32
    %broadcast_in_dim3A_23 = vector.broadcast %jit3A : f32 to vector<512x128xf32>
    %select_n3A = arith.select %le3A, %broadcast_in_dim3A_21, %broadcast_in_dim3A_23 : vector<512x128xi1>, vector<512x128xf32>
    %slice3A_24 = vector.extract_strided_slice %add3A_19 {offsets = [0, 256], sizes = [512, 128], strides = [1, 1]} : vector<512x1024xf32> to vector<512x128xf32>
    %le3A_25 = arith.cmpf ole, %min3A, %slice3A_24 : vector<512x128xf32>
    %min3A_26 = arith.minimumf %min3A, %slice3A_24 : vector<512x128xf32>
    %jit3A_27 = arith.constant 2.000000e+00 : f32
    %broadcast_in_dim3A_28 = vector.broadcast %jit3A_27 : f32 to vector<512x128xf32>
    %select_n3A_29 = arith.select %le3A_25, %select_n3A, %broadcast_in_dim3A_28 : vector<512x128xi1>, vector<512x128xf32>
    %slice3A_30 = vector.extract_strided_slice %add3A_19 {offsets = [0, 384], sizes = [512, 128], strides = [1, 1]} : vector<512x1024xf32> to vector<512x128xf32>
    %le3A_31 = arith.cmpf ole, %min3A_26, %slice3A_30 : vector<512x128xf32>
    %min3A_32 = arith.minimumf %min3A_26, %slice3A_30 : vector<512x128xf32>
    %jit3A_33 = arith.constant 3.000000e+00 : f32
    %broadcast_in_dim3A_34 = vector.broadcast %jit3A_33 : f32 to vector<512x128xf32>
    %select_n3A_35 = arith.select %le3A_31, %select_n3A_29, %broadcast_in_dim3A_34 : vector<512x128xi1>, vector<512x128xf32>
    %slice3A_36 = vector.extract_strided_slice %add3A_19 {offsets = [0, 512], sizes = [512, 128], strides = [1, 1]} : vector<512x1024xf32> to vector<512x128xf32>
    %le3A_37 = arith.cmpf ole, %min3A_32, %slice3A_36 : vector<512x128xf32>
    %min3A_38 = arith.minimumf %min3A_32, %slice3A_36 : vector<512x128xf32>
    %jit3A_39 = arith.constant 4.000000e+00 : f32
    %broadcast_in_dim3A_40 = vector.broadcast %jit3A_39 : f32 to vector<512x128xf32>
    %select_n3A_41 = arith.select %le3A_37, %select_n3A_35, %broadcast_in_dim3A_40 : vector<512x128xi1>, vector<512x128xf32>
    %slice3A_42 = vector.extract_strided_slice %add3A_19 {offsets = [0, 640], sizes = [512, 128], strides = [1, 1]} : vector<512x1024xf32> to vector<512x128xf32>
    %le3A_43 = arith.cmpf ole, %min3A_38, %slice3A_42 : vector<512x128xf32>
    %min3A_44 = arith.minimumf %min3A_38, %slice3A_42 : vector<512x128xf32>
    %jit3A_45 = arith.constant 5.000000e+00 : f32
    %broadcast_in_dim3A_46 = vector.broadcast %jit3A_45 : f32 to vector<512x128xf32>
    %select_n3A_47 = arith.select %le3A_43, %select_n3A_41, %broadcast_in_dim3A_46 : vector<512x128xi1>, vector<512x128xf32>
    %slice3A_48 = vector.extract_strided_slice %add3A_19 {offsets = [0, 768], sizes = [512, 128], strides = [1, 1]} : vector<512x1024xf32> to vector<512x128xf32>
    %le3A_49 = arith.cmpf ole, %min3A_44, %slice3A_48 : vector<512x128xf32>
    %min3A_50 = arith.minimumf %min3A_44, %slice3A_48 : vector<512x128xf32>
    %jit3A_51 = arith.constant 6.000000e+00 : f32
    %broadcast_in_dim3A_52 = vector.broadcast %jit3A_51 : f32 to vector<512x128xf32>
    %select_n3A_53 = arith.select %le3A_49, %select_n3A_47, %broadcast_in_dim3A_52 : vector<512x128xi1>, vector<512x128xf32>
    %slice3A_54 = vector.extract_strided_slice %add3A_19 {offsets = [0, 896], sizes = [512, 128], strides = [1, 1]} : vector<512x1024xf32> to vector<512x128xf32>
    %le3A_55 = arith.cmpf ole, %min3A_50, %slice3A_54 : vector<512x128xf32>
    %min3A_56 = arith.minimumf %min3A_50, %slice3A_54 : vector<512x128xf32>
    %jit3A_57 = arith.constant 7.000000e+00 : f32
    %broadcast_in_dim3A_58 = vector.broadcast %jit3A_57 : f32 to vector<512x128xf32>
    %select_n3A_59 = arith.select %le3A_55, %select_n3A_53, %broadcast_in_dim3A_58 : vector<512x128xi1>, vector<512x128xf32>
    %reduce_min3A = arith.constant dense<0x7F800000> : vector<512xf32>
    %reduce_min3A_60 = vector.multi_reduction <minimumf>, %min3A_56, %reduce_min3A [1] : vector<512x128xf32> to vector<512xf32>
    %broadcast_in_dim3A_61 = vector.shape_cast %reduce_min3A_60 : vector<512xf32> to vector<512x1xf32>
    %mul3A_62 = arith.constant 1.280000e+02 : f32
    %mul3A_63 = vector.broadcast %mul3A_62 : f32 to vector<512x128xf32>
    %mul3A_64 = arith.mulf %select_n3A_59, %mul3A_63 : vector<512x128xf32>
    %add3A_65 = arith.addf %mul3A_64, %convert_element_type3A : vector<512x128xf32>
    %eq3A = vector.broadcast %broadcast_in_dim3A_61 : vector<512x1xf32> to vector<512x128xf32>
    %eq3A_66 = arith.cmpf oeq, %min3A_56, %eq3A : vector<512x128xf32>
    %jit3A_67 = arith.constant 1.024000e+03 : f32
    %broadcast_in_dim3A_68 = vector.broadcast %jit3A_67 : f32 to vector<512x128xf32>
    %select_n3A_69 = arith.select %eq3A_66, %add3A_65, %broadcast_in_dim3A_68 : vector<512x128xi1>, vector<512x128xf32>
    %reduce_min3A_70 = arith.constant dense<0x7F800000> : vector<512xf32>
    %reduce_min3A_71 = vector.multi_reduction <minimumf>, %select_n3A_69, %reduce_min3A_70 [1] : vector<512x128xf32> to vector<512xf32>
    %broadcast_in_dim3A_72 = vector.shape_cast %reduce_min3A_71 : vector<512xf32> to vector<512x1xf32>
    %lt3A = arith.cmpf olt, %broadcast_in_dim3A_61, %broadcast_in_dim3A_7 : vector<512x1xf32>
    %select_n3A_73 = arith.select %lt3A, %broadcast_in_dim3A_61, %broadcast_in_dim3A_7 : vector<512x1xi1>, vector<512x1xf32>
    %add3A_74 = arith.constant 0.000000e+00 : f32
    %add3A_75 = vector.broadcast %add3A_74 : f32 to vector<512x1xf32>
    %add3A_76 = arith.addf %broadcast_in_dim3A_72, %add3A_75 : vector<512x1xf32>
    %select_n3A_77 = arith.select %lt3A, %add3A_76, %broadcast_in_dim3A_9 : vector<512x1xi1>, vector<512x1xf32>
    %get3A_78 = arith.constant 1024 : index
    %get3A_79 = arith.constant 0 : index
    %get3A_80 = vector.load %arg2[%get3A_78, %get3A_79] : memref<8192x32xf32, #tpu.memory_space<vmem>>, vector<1024x32xf32>
    %get3A_81 = arith.constant 0 : index
    %get3A_82 = arith.constant 1024 : index
    %get3A_83 = vector.load %arg4[%get3A_81, %get3A_82] : memref<1x8192xf32, #tpu.memory_space<vmem>>, vector<1x1024xf32>
    %dot_general3A_84 = arith.constant dense<0.000000e+00> : vector<512x1024xf32>
    %dot_general3A_85 = tpu.matmul %mul3A_3, %get3A_80, %dot_general3A_84 {dimension_numbers = #tpu.dot_dimension_numbers<[1], [1], [0], [0], [0, 0, 1, 0], [], []>, transpose_lhs_hint = false} : vector<512x32xf32>, vector<1024x32xf32>, vector<512x1024xf32> -> vector<512x1024xf32>
    %add3A_86 = vector.broadcast %get3A_6 : vector<512x1xf32> to vector<512x1024xf32>
    %add3A_87 = arith.addf %add3A_86, %dot_general3A_85 : vector<512x1024xf32>
    %add3A_88 = vector.broadcast %get3A_83 : vector<1x1024xf32> to vector<512x1024xf32>
    %add3A_89 = arith.addf %add3A_87, %add3A_88 : vector<512x1024xf32>
    %slice3A_90 = vector.extract_strided_slice %add3A_89 {offsets = [0, 0], sizes = [512, 128], strides = [1, 1]} : vector<512x1024xf32> to vector<512x128xf32>
    %broadcast_in_dim3A_91 = arith.constant 0.000000e+00 : f32
    %broadcast_in_dim3A_92 = vector.broadcast %broadcast_in_dim3A_91 : f32 to vector<512x128xf32>
    %slice3A_93 = vector.extract_strided_slice %add3A_89 {offsets = [0, 128], sizes = [512, 128], strides = [1, 1]} : vector<512x1024xf32> to vector<512x128xf32>
    %le3A_94 = arith.cmpf ole, %slice3A_90, %slice3A_93 : vector<512x128xf32>
    %min3A_95 = arith.minimumf %slice3A_90, %slice3A_93 : vector<512x128xf32>
    %jit3A_96 = arith.constant 1.000000e+00 : f32
    %broadcast_in_dim3A_97 = vector.broadcast %jit3A_96 : f32 to vector<512x128xf32>
    %select_n3A_98 = arith.select %le3A_94, %broadcast_in_dim3A_92, %broadcast_in_dim3A_97 : vector<512x128xi1>, vector<512x128xf32>
    %slice3A_99 = vector.extract_strided_slice %add3A_89 {offsets = [0, 256], sizes = [512, 128], strides = [1, 1]} : vector<512x1024xf32> to vector<512x128xf32>
    %le3A_100 = arith.cmpf ole, %min3A_95, %slice3A_99 : vector<512x128xf32>
    %min3A_101 = arith.minimumf %min3A_95, %slice3A_99 : vector<512x128xf32>
    %jit3A_102 = arith.constant 2.000000e+00 : f32
    %broadcast_in_dim3A_103 = vector.broadcast %jit3A_102 : f32 to vector<512x128xf32>
    %select_n3A_104 = arith.select %le3A_100, %select_n3A_98, %broadcast_in_dim3A_103 : vector<512x128xi1>, vector<512x128xf32>
    %slice3A_105 = vector.extract_strided_slice %add3A_89 {offsets = [0, 384], sizes = [512, 128], strides = [1, 1]} : vector<512x1024xf32> to vector<512x128xf32>
    %le3A_106 = arith.cmpf ole, %min3A_101, %slice3A_105 : vector<512x128xf32>
    %min3A_107 = arith.minimumf %min3A_101, %slice3A_105 : vector<512x128xf32>
    %jit3A_108 = arith.constant 3.000000e+00 : f32
    %broadcast_in_dim3A_109 = vector.broadcast %jit3A_108 : f32 to vector<512x128xf32>
    %select_n3A_110 = arith.select %le3A_106, %select_n3A_104, %broadcast_in_dim3A_109 : vector<512x128xi1>, vector<512x128xf32>
    %slice3A_111 = vector.extract_strided_slice %add3A_89 {offsets = [0, 512], sizes = [512, 128], strides = [1, 1]} : vector<512x1024xf32> to vector<512x128xf32>
    %le3A_112 = arith.cmpf ole, %min3A_107, %slice3A_111 : vector<512x128xf32>
    %min3A_113 = arith.minimumf %min3A_107, %slice3A_111 : vector<512x128xf32>
    %jit3A_114 = arith.constant 4.000000e+00 : f32
    %broadcast_in_dim3A_115 = vector.broadcast %jit3A_114 : f32 to vector<512x128xf32>
    %select_n3A_116 = arith.select %le3A_112, %select_n3A_110, %broadcast_in_dim3A_115 : vector<512x128xi1>, vector<512x128xf32>
    %slice3A_117 = vector.extract_strided_slice %add3A_89 {offsets = [0, 640], sizes = [512, 128], strides = [1, 1]} : vector<512x1024xf32> to vector<512x128xf32>
    %le3A_118 = arith.cmpf ole, %min3A_113, %slice3A_117 : vector<512x128xf32>
    %min3A_119 = arith.minimumf %min3A_113, %slice3A_117 : vector<512x128xf32>
    %jit3A_120 = arith.constant 5.000000e+00 : f32
    %broadcast_in_dim3A_121 = vector.broadcast %jit3A_120 : f32 to vector<512x128xf32>
    %select_n3A_122 = arith.select %le3A_118, %select_n3A_116, %broadcast_in_dim3A_121 : vector<512x128xi1>, vector<512x128xf32>
    %slice3A_123 = vector.extract_strided_slice %add3A_89 {offsets = [0, 768], sizes = [512, 128], strides = [1, 1]} : vector<512x1024xf32> to vector<512x128xf32>
    %le3A_124 = arith.cmpf ole, %min3A_119, %slice3A_123 : vector<512x128xf32>
    %min3A_125 = arith.minimumf %min3A_119, %slice3A_123 : vector<512x128xf32>
    %jit3A_126 = arith.constant 6.000000e+00 : f32
    %broadcast_in_dim3A_127 = vector.broadcast %jit3A_126 : f32 to vector<512x128xf32>
    %select_n3A_128 = arith.select %le3A_124, %select_n3A_122, %broadcast_in_dim3A_127 : vector<512x128xi1>, vector<512x128xf32>
    %slice3A_129 = vector.extract_strided_slice %add3A_89 {offsets = [0, 896], sizes = [512, 128], strides = [1, 1]} : vector<512x1024xf32> to vector<512x128xf32>
    %le3A_130 = arith.cmpf ole, %min3A_125, %slice3A_129 : vector<512x128xf32>
    %min3A_131 = arith.minimumf %min3A_125, %slice3A_129 : vector<512x128xf32>
    %jit3A_132 = arith.constant 7.000000e+00 : f32
    %broadcast_in_dim3A_133 = vector.broadcast %jit3A_132 : f32 to vector<512x128xf32>
    %select_n3A_134 = arith.select %le3A_130, %select_n3A_128, %broadcast_in_dim3A_133 : vector<512x128xi1>, vector<512x128xf32>
    %reduce_min3A_135 = arith.constant dense<0x7F800000> : vector<512xf32>
    %reduce_min3A_136 = vector.multi_reduction <minimumf>, %min3A_131, %reduce_min3A_135 [1] : vector<512x128xf32> to vector<512xf32>
    %broadcast_in_dim3A_137 = vector.shape_cast %reduce_min3A_136 : vector<512xf32> to vector<512x1xf32>
    %mul3A_138 = arith.constant 1.280000e+02 : f32
    %mul3A_139 = vector.broadcast %mul3A_138 : f32 to vector<512x128xf32>
    %mul3A_140 = arith.mulf %select_n3A_134, %mul3A_139 : vector<512x128xf32>
    %add3A_141 = arith.addf %mul3A_140, %convert_element_type3A : vector<512x128xf32>
    %eq3A_142 = vector.broadcast %broadcast_in_dim3A_137 : vector<512x1xf32> to vector<512x128xf32>
    %eq3A_143 = arith.cmpf oeq, %min3A_131, %eq3A_142 : vector<512x128xf32>
    %jit3A_144 = arith.constant 1.024000e+03 : f32
    %broadcast_in_dim3A_145 = vector.broadcast %jit3A_144 : f32 to vector<512x128xf32>
    %select_n3A_146 = arith.select %eq3A_143, %add3A_141, %broadcast_in_dim3A_145 : vector<512x128xi1>, vector<512x128xf32>
    %reduce_min3A_147 = arith.constant dense<0x7F800000> : vector<512xf32>
    %reduce_min3A_148 = vector.multi_reduction <minimumf>, %select_n3A_146, %reduce_min3A_147 [1] : vector<512x128xf32> to vector<512xf32>
    %broadcast_in_dim3A_149 = vector.shape_cast %reduce_min3A_148 : vector<512xf32> to vector<512x1xf32>
    %lt3A_150 = arith.cmpf olt, %broadcast_in_dim3A_137, %select_n3A_73 : vector<512x1xf32>
    %select_n3A_151 = arith.select %lt3A_150, %broadcast_in_dim3A_137, %select_n3A_73 : vector<512x1xi1>, vector<512x1xf32>
    %add3A_152 = arith.constant 1.024000e+03 : f32
    %add3A_153 = vector.broadcast %add3A_152 : f32 to vector<512x1xf32>
    %add3A_154 = arith.addf %broadcast_in_dim3A_149, %add3A_153 : vector<512x1xf32>
    %select_n3A_155 = arith.select %lt3A_150, %add3A_154, %select_n3A_77 : vector<512x1xi1>, vector<512x1xf32>
    %get3A_156 = arith.constant 2048 : index
    %get3A_157 = arith.constant 0 : index
    %get3A_158 = vector.load %arg2[%get3A_156, %get3A_157] : memref<8192x32xf32, #tpu.memory_space<vmem>>, vector<1024x32xf32>
    %get3A_159 = arith.constant 0 : index
    %get3A_160 = arith.constant 2048 : index
    %get3A_161 = vector.load %arg4[%get3A_159, %get3A_160] : memref<1x8192xf32, #tpu.memory_space<vmem>>, vector<1x1024xf32>
    %dot_general3A_162 = arith.constant dense<0.000000e+00> : vector<512x1024xf32>
    %dot_general3A_163 = tpu.matmul %mul3A_3, %get3A_158, %dot_general3A_162 {dimension_numbers = #tpu.dot_dimension_numbers<[1], [1], [0], [0], [0, 0, 1, 0], [], []>, transpose_lhs_hint = false} : vector<512x32xf32>, vector<1024x32xf32>, vector<512x1024xf32> -> vector<512x1024xf32>
    %add3A_164 = vector.broadcast %get3A_6 : vector<512x1xf32> to vector<512x1024xf32>
    %add3A_165 = arith.addf %add3A_164, %dot_general3A_163 : vector<512x1024xf32>
    %add3A_166 = vector.broadcast %get3A_161 : vector<1x1024xf32> to vector<512x1024xf32>
    %add3A_167 = arith.addf %add3A_165, %add3A_166 : vector<512x1024xf32>
    %slice3A_168 = vector.extract_strided_slice %add3A_167 {offsets = [0, 0], sizes = [512, 128], strides = [1, 1]} : vector<512x1024xf32> to vector<512x128xf32>
    %broadcast_in_dim3A_169 = arith.constant 0.000000e+00 : f32
    %broadcast_in_dim3A_170 = vector.broadcast %broadcast_in_dim3A_169 : f32 to vector<512x128xf32>
    %slice3A_171 = vector.extract_strided_slice %add3A_167 {offsets = [0, 128], sizes = [512, 128], strides = [1, 1]} : vector<512x1024xf32> to vector<512x128xf32>
    %le3A_172 = arith.cmpf ole, %slice3A_168, %slice3A_171 : vector<512x128xf32>
    %min3A_173 = arith.minimumf %slice3A_168, %slice3A_171 : vector<512x128xf32>
    %jit3A_174 = arith.constant 1.000000e+00 : f32
    %broadcast_in_dim3A_175 = vector.broadcast %jit3A_174 : f32 to vector<512x128xf32>
    %select_n3A_176 = arith.select %le3A_172, %broadcast_in_dim3A_170, %broadcast_in_dim3A_175 : vector<512x128xi1>, vector<512x128xf32>
    %slice3A_177 = vector.extract_strided_slice %add3A_167 {offsets = [0, 256], sizes = [512, 128], strides = [1, 1]} : vector<512x1024xf32> to vector<512x128xf32>
    %le3A_178 = arith.cmpf ole, %min3A_173, %slice3A_177 : vector<512x128xf32>
    %min3A_179 = arith.minimumf %min3A_173, %slice3A_177 : vector<512x128xf32>
    %jit3A_180 = arith.constant 2.000000e+00 : f32
    %broadcast_in_dim3A_181 = vector.broadcast %jit3A_180 : f32 to vector<512x128xf32>
    %select_n3A_182 = arith.select %le3A_178, %select_n3A_176, %broadcast_in_dim3A_181 : vector<512x128xi1>, vector<512x128xf32>
    %slice3A_183 = vector.extract_strided_slice %add3A_167 {offsets = [0, 384], sizes = [512, 128], strides = [1, 1]} : vector<512x1024xf32> to vector<512x128xf32>
    %le3A_184 = arith.cmpf ole, %min3A_179, %slice3A_183 : vector<512x128xf32>
    %min3A_185 = arith.minimumf %min3A_179, %slice3A_183 : vector<512x128xf32>
    %jit3A_186 = arith.constant 3.000000e+00 : f32
    %broadcast_in_dim3A_187 = vector.broadcast %jit3A_186 : f32 to vector<512x128xf32>
    %select_n3A_188 = arith.select %le3A_184, %select_n3A_182, %broadcast_in_dim3A_187 : vector<512x128xi1>, vector<512x128xf32>
    %slice3A_189 = vector.extract_strided_slice %add3A_167 {offsets = [0, 512], sizes = [512, 128], strides = [1, 1]} : vector<512x1024xf32> to vector<512x128xf32>
    %le3A_190 = arith.cmpf ole, %min3A_185, %slice3A_189 : vector<512x128xf32>
    %min3A_191 = arith.minimumf %min3A_185, %slice3A_189 : vector<512x128xf32>
    %jit3A_192 = arith.constant 4.000000e+00 : f32
    %broadcast_in_dim3A_193 = vector.broadcast %jit3A_192 : f32 to vector<512x128xf32>
    %select_n3A_194 = arith.select %le3A_190, %select_n3A_188, %broadcast_in_dim3A_193 : vector<512x128xi1>, vector<512x128xf32>
    %slice3A_195 = vector.extract_strided_slice %add3A_167 {offsets = [0, 640], sizes = [512, 128], strides = [1, 1]} : vector<512x1024xf32> to vector<512x128xf32>
    %le3A_196 = arith.cmpf ole, %min3A_191, %slice3A_195 : vector<512x128xf32>
    %min3A_197 = arith.minimumf %min3A_191, %slice3A_195 : vector<512x128xf32>
    %jit3A_198 = arith.constant 5.000000e+00 : f32
    %broadcast_in_dim3A_199 = vector.broadcast %jit3A_198 : f32 to vector<512x128xf32>
    %select_n3A_200 = arith.select %le3A_196, %select_n3A_194, %broadcast_in_dim3A_199 : vector<512x128xi1>, vector<512x128xf32>
    %slice3A_201 = vector.extract_strided_slice %add3A_167 {offsets = [0, 768], sizes = [512, 128], strides = [1, 1]} : vector<512x1024xf32> to vector<512x128xf32>
    %le3A_202 = arith.cmpf ole, %min3A_197, %slice3A_201 : vector<512x128xf32>
    %min3A_203 = arith.minimumf %min3A_197, %slice3A_201 : vector<512x128xf32>
    %jit3A_204 = arith.constant 6.000000e+00 : f32
    %broadcast_in_dim3A_205 = vector.broadcast %jit3A_204 : f32 to vector<512x128xf32>
    %select_n3A_206 = arith.select %le3A_202, %select_n3A_200, %broadcast_in_dim3A_205 : vector<512x128xi1>, vector<512x128xf32>
    %slice3A_207 = vector.extract_strided_slice %add3A_167 {offsets = [0, 896], sizes = [512, 128], strides = [1, 1]} : vector<512x1024xf32> to vector<512x128xf32>
    %le3A_208 = arith.cmpf ole, %min3A_203, %slice3A_207 : vector<512x128xf32>
    %min3A_209 = arith.minimumf %min3A_203, %slice3A_207 : vector<512x128xf32>
    %jit3A_210 = arith.constant 7.000000e+00 : f32
    %broadcast_in_dim3A_211 = vector.broadcast %jit3A_210 : f32 to vector<512x128xf32>
    %select_n3A_212 = arith.select %le3A_208, %select_n3A_206, %broadcast_in_dim3A_211 : vector<512x128xi1>, vector<512x128xf32>
    %reduce_min3A_213 = arith.constant dense<0x7F800000> : vector<512xf32>
    %reduce_min3A_214 = vector.multi_reduction <minimumf>, %min3A_209, %reduce_min3A_213 [1] : vector<512x128xf32> to vector<512xf32>
    %broadcast_in_dim3A_215 = vector.shape_cast %reduce_min3A_214 : vector<512xf32> to vector<512x1xf32>
    %mul3A_216 = arith.constant 1.280000e+02 : f32
    %mul3A_217 = vector.broadcast %mul3A_216 : f32 to vector<512x128xf32>
    %mul3A_218 = arith.mulf %select_n3A_212, %mul3A_217 : vector<512x128xf32>
    %add3A_219 = arith.addf %mul3A_218, %convert_element_type3A : vector<512x128xf32>
    %eq3A_220 = vector.broadcast %broadcast_in_dim3A_215 : vector<512x1xf32> to vector<512x128xf32>
    %eq3A_221 = arith.cmpf oeq, %min3A_209, %eq3A_220 : vector<512x128xf32>
    %jit3A_222 = arith.constant 1.024000e+03 : f32
    %broadcast_in_dim3A_223 = vector.broadcast %jit3A_222 : f32 to vector<512x128xf32>
    %select_n3A_224 = arith.select %eq3A_221, %add3A_219, %broadcast_in_dim3A_223 : vector<512x128xi1>, vector<512x128xf32>
    %reduce_min3A_225 = arith.constant dense<0x7F800000> : vector<512xf32>
    %reduce_min3A_226 = vector.multi_reduction <minimumf>, %select_n3A_224, %reduce_min3A_225 [1] : vector<512x128xf32> to vector<512xf32>
    %broadcast_in_dim3A_227 = vector.shape_cast %reduce_min3A_226 : vector<512xf32> to vector<512x1xf32>
    %lt3A_228 = arith.cmpf olt, %broadcast_in_dim3A_215, %select_n3A_151 : vector<512x1xf32>
    %select_n3A_229 = arith.select %lt3A_228, %broadcast_in_dim3A_215, %select_n3A_151 : vector<512x1xi1>, vector<512x1xf32>
    %add3A_230 = arith.constant 2.048000e+03 : f32
    %add3A_231 = vector.broadcast %add3A_230 : f32 to vector<512x1xf32>
    %add3A_232 = arith.addf %broadcast_in_dim3A_227, %add3A_231 : vector<512x1xf32>
    %select_n3A_233 = arith.select %lt3A_228, %add3A_232, %select_n3A_155 : vector<512x1xi1>, vector<512x1xf32>
    %get3A_234 = arith.constant 3072 : index
    %get3A_235 = arith.constant 0 : index
    %get3A_236 = vector.load %arg2[%get3A_234, %get3A_235] : memref<8192x32xf32, #tpu.memory_space<vmem>>, vector<1024x32xf32>
    %get3A_237 = arith.constant 0 : index
    %get3A_238 = arith.constant 3072 : index
    %get3A_239 = vector.load %arg4[%get3A_237, %get3A_238] : memref<1x8192xf32, #tpu.memory_space<vmem>>, vector<1x1024xf32>
    %dot_general3A_240 = arith.constant dense<0.000000e+00> : vector<512x1024xf32>
    %dot_general3A_241 = tpu.matmul %mul3A_3, %get3A_236, %dot_general3A_240 {dimension_numbers = #tpu.dot_dimension_numbers<[1], [1], [0], [0], [0, 0, 1, 0], [], []>, transpose_lhs_hint = false} : vector<512x32xf32>, vector<1024x32xf32>, vector<512x1024xf32> -> vector<512x1024xf32>
    %add3A_242 = vector.broadcast %get3A_6 : vector<512x1xf32> to vector<512x1024xf32>
    %add3A_243 = arith.addf %add3A_242, %dot_general3A_241 : vector<512x1024xf32>
    %add3A_244 = vector.broadcast %get3A_239 : vector<1x1024xf32> to vector<512x1024xf32>
    %add3A_245 = arith.addf %add3A_243, %add3A_244 : vector<512x1024xf32>
    %slice3A_246 = vector.extract_strided_slice %add3A_245 {offsets = [0, 0], sizes = [512, 128], strides = [1, 1]} : vector<512x1024xf32> to vector<512x128xf32>
    %broadcast_in_dim3A_247 = arith.constant 0.000000e+00 : f32
    %broadcast_in_dim3A_248 = vector.broadcast %broadcast_in_dim3A_247 : f32 to vector<512x128xf32>
    %slice3A_249 = vector.extract_strided_slice %add3A_245 {offsets = [0, 128], sizes = [512, 128], strides = [1, 1]} : vector<512x1024xf32> to vector<512x128xf32>
    %le3A_250 = arith.cmpf ole, %slice3A_246, %slice3A_249 : vector<512x128xf32>
    %min3A_251 = arith.minimumf %slice3A_246, %slice3A_249 : vector<512x128xf32>
    %jit3A_252 = arith.constant 1.000000e+00 : f32
    %broadcast_in_dim3A_253 = vector.broadcast %jit3A_252 : f32 to vector<512x128xf32>
    %select_n3A_254 = arith.select %le3A_250, %broadcast_in_dim3A_248, %broadcast_in_dim3A_253 : vector<512x128xi1>, vector<512x128xf32>
    %slice3A_255 = vector.extract_strided_slice %add3A_245 {offsets = [0, 256], sizes = [512, 128], strides = [1, 1]} : vector<512x1024xf32> to vector<512x128xf32>
    %le3A_256 = arith.cmpf ole, %min3A_251, %slice3A_255 : vector<512x128xf32>
    %min3A_257 = arith.minimumf %min3A_251, %slice3A_255 : vector<512x128xf32>
    %jit3A_258 = arith.constant 2.000000e+00 : f32
    %broadcast_in_dim3A_259 = vector.broadcast %jit3A_258 : f32 to vector<512x128xf32>
    %select_n3A_260 = arith.select %le3A_256, %select_n3A_254, %broadcast_in_dim3A_259 : vector<512x128xi1>, vector<512x128xf32>
    %slice3A_261 = vector.extract_strided_slice %add3A_245 {offsets = [0, 384], sizes = [512, 128], strides = [1, 1]} : vector<512x1024xf32> to vector<512x128xf32>
    %le3A_262 = arith.cmpf ole, %min3A_257, %slice3A_261 : vector<512x128xf32>
    %min3A_263 = arith.minimumf %min3A_257, %slice3A_261 : vector<512x128xf32>
    %jit3A_264 = arith.constant 3.000000e+00 : f32
    %broadcast_in_dim3A_265 = vector.broadcast %jit3A_264 : f32 to vector<512x128xf32>
    %select_n3A_266 = arith.select %le3A_262, %select_n3A_260, %broadcast_in_dim3A_265 : vector<512x128xi1>, vector<512x128xf32>
    %slice3A_267 = vector.extract_strided_slice %add3A_245 {offsets = [0, 512], sizes = [512, 128], strides = [1, 1]} : vector<512x1024xf32> to vector<512x128xf32>
    %le3A_268 = arith.cmpf ole, %min3A_263, %slice3A_267 : vector<512x128xf32>
    %min3A_269 = arith.minimumf %min3A_263, %slice3A_267 : vector<512x128xf32>
    %jit3A_270 = arith.constant 4.000000e+00 : f32
    %broadcast_in_dim3A_271 = vector.broadcast %jit3A_270 : f32 to vector<512x128xf32>
    %select_n3A_272 = arith.select %le3A_268, %select_n3A_266, %broadcast_in_dim3A_271 : vector<512x128xi1>, vector<512x128xf32>
    %slice3A_273 = vector.extract_strided_slice %add3A_245 {offsets = [0, 640], sizes = [512, 128], strides = [1, 1]} : vector<512x1024xf32> to vector<512x128xf32>
    %le3A_274 = arith.cmpf ole, %min3A_269, %slice3A_273 : vector<512x128xf32>
    %min3A_275 = arith.minimumf %min3A_269, %slice3A_273 : vector<512x128xf32>
    %jit3A_276 = arith.constant 5.000000e+00 : f32
    %broadcast_in_dim3A_277 = vector.broadcast %jit3A_276 : f32 to vector<512x128xf32>
    %select_n3A_278 = arith.select %le3A_274, %select_n3A_272, %broadcast_in_dim3A_277 : vector<512x128xi1>, vector<512x128xf32>
    %slice3A_279 = vector.extract_strided_slice %add3A_245 {offsets = [0, 768], sizes = [512, 128], strides = [1, 1]} : vector<512x1024xf32> to vector<512x128xf32>
    %le3A_280 = arith.cmpf ole, %min3A_275, %slice3A_279 : vector<512x128xf32>
    %min3A_281 = arith.minimumf %min3A_275, %slice3A_279 : vector<512x128xf32>
    %jit3A_282 = arith.constant 6.000000e+00 : f32
    %broadcast_in_dim3A_283 = vector.broadcast %jit3A_282 : f32 to vector<512x128xf32>
    %select_n3A_284 = arith.select %le3A_280, %select_n3A_278, %broadcast_in_dim3A_283 : vector<512x128xi1>, vector<512x128xf32>
    %slice3A_285 = vector.extract_strided_slice %add3A_245 {offsets = [0, 896], sizes = [512, 128], strides = [1, 1]} : vector<512x1024xf32> to vector<512x128xf32>
    %le3A_286 = arith.cmpf ole, %min3A_281, %slice3A_285 : vector<512x128xf32>
    %min3A_287 = arith.minimumf %min3A_281, %slice3A_285 : vector<512x128xf32>
    %jit3A_288 = arith.constant 7.000000e+00 : f32
    %broadcast_in_dim3A_289 = vector.broadcast %jit3A_288 : f32 to vector<512x128xf32>
    %select_n3A_290 = arith.select %le3A_286, %select_n3A_284, %broadcast_in_dim3A_289 : vector<512x128xi1>, vector<512x128xf32>
    %reduce_min3A_291 = arith.constant dense<0x7F800000> : vector<512xf32>
    %reduce_min3A_292 = vector.multi_reduction <minimumf>, %min3A_287, %reduce_min3A_291 [1] : vector<512x128xf32> to vector<512xf32>
    %broadcast_in_dim3A_293 = vector.shape_cast %reduce_min3A_292 : vector<512xf32> to vector<512x1xf32>
    %mul3A_294 = arith.constant 1.280000e+02 : f32
    %mul3A_295 = vector.broadcast %mul3A_294 : f32 to vector<512x128xf32>
    %mul3A_296 = arith.mulf %select_n3A_290, %mul3A_295 : vector<512x128xf32>
    %add3A_297 = arith.addf %mul3A_296, %convert_element_type3A : vector<512x128xf32>
    %eq3A_298 = vector.broadcast %broadcast_in_dim3A_293 : vector<512x1xf32> to vector<512x128xf32>
    %eq3A_299 = arith.cmpf oeq, %min3A_287, %eq3A_298 : vector<512x128xf32>
    %jit3A_300 = arith.constant 1.024000e+03 : f32
    %broadcast_in_dim3A_301 = vector.broadcast %jit3A_300 : f32 to vector<512x128xf32>
    %select_n3A_302 = arith.select %eq3A_299, %add3A_297, %broadcast_in_dim3A_301 : vector<512x128xi1>, vector<512x128xf32>
    %reduce_min3A_303 = arith.constant dense<0x7F800000> : vector<512xf32>
    %reduce_min3A_304 = vector.multi_reduction <minimumf>, %select_n3A_302, %reduce_min3A_303 [1] : vector<512x128xf32> to vector<512xf32>
    %broadcast_in_dim3A_305 = vector.shape_cast %reduce_min3A_304 : vector<512xf32> to vector<512x1xf32>
    %lt3A_306 = arith.cmpf olt, %broadcast_in_dim3A_293, %select_n3A_229 : vector<512x1xf32>
    %select_n3A_307 = arith.select %lt3A_306, %broadcast_in_dim3A_293, %select_n3A_229 : vector<512x1xi1>, vector<512x1xf32>
    %add3A_308 = arith.constant 3.072000e+03 : f32
    %add3A_309 = vector.broadcast %add3A_308 : f32 to vector<512x1xf32>
    %add3A_310 = arith.addf %broadcast_in_dim3A_305, %add3A_309 : vector<512x1xf32>
    %select_n3A_311 = arith.select %lt3A_306, %add3A_310, %select_n3A_233 : vector<512x1xi1>, vector<512x1xf32>
    %get3A_312 = arith.constant 4096 : index
    %get3A_313 = arith.constant 0 : index
    %get3A_314 = vector.load %arg2[%get3A_312, %get3A_313] : memref<8192x32xf32, #tpu.memory_space<vmem>>, vector<1024x32xf32>
    %get3A_315 = arith.constant 0 : index
    %get3A_316 = arith.constant 4096 : index
    %get3A_317 = vector.load %arg4[%get3A_315, %get3A_316] : memref<1x8192xf32, #tpu.memory_space<vmem>>, vector<1x1024xf32>
    %dot_general3A_318 = arith.constant dense<0.000000e+00> : vector<512x1024xf32>
    %dot_general3A_319 = tpu.matmul %mul3A_3, %get3A_314, %dot_general3A_318 {dimension_numbers = #tpu.dot_dimension_numbers<[1], [1], [0], [0], [0, 0, 1, 0], [], []>, transpose_lhs_hint = false} : vector<512x32xf32>, vector<1024x32xf32>, vector<512x1024xf32> -> vector<512x1024xf32>
    %add3A_320 = vector.broadcast %get3A_6 : vector<512x1xf32> to vector<512x1024xf32>
    %add3A_321 = arith.addf %add3A_320, %dot_general3A_319 : vector<512x1024xf32>
    %add3A_322 = vector.broadcast %get3A_317 : vector<1x1024xf32> to vector<512x1024xf32>
    %add3A_323 = arith.addf %add3A_321, %add3A_322 : vector<512x1024xf32>
    %slice3A_324 = vector.extract_strided_slice %add3A_323 {offsets = [0, 0], sizes = [512, 128], strides = [1, 1]} : vector<512x1024xf32> to vector<512x128xf32>
    %broadcast_in_dim3A_325 = arith.constant 0.000000e+00 : f32
    %broadcast_in_dim3A_326 = vector.broadcast %broadcast_in_dim3A_325 : f32 to vector<512x128xf32>
    %slice3A_327 = vector.extract_strided_slice %add3A_323 {offsets = [0, 128], sizes = [512, 128], strides = [1, 1]} : vector<512x1024xf32> to vector<512x128xf32>
    %le3A_328 = arith.cmpf ole, %slice3A_324, %slice3A_327 : vector<512x128xf32>
    %min3A_329 = arith.minimumf %slice3A_324, %slice3A_327 : vector<512x128xf32>
    %jit3A_330 = arith.constant 1.000000e+00 : f32
    %broadcast_in_dim3A_331 = vector.broadcast %jit3A_330 : f32 to vector<512x128xf32>
    %select_n3A_332 = arith.select %le3A_328, %broadcast_in_dim3A_326, %broadcast_in_dim3A_331 : vector<512x128xi1>, vector<512x128xf32>
    %slice3A_333 = vector.extract_strided_slice %add3A_323 {offsets = [0, 256], sizes = [512, 128], strides = [1, 1]} : vector<512x1024xf32> to vector<512x128xf32>
    %le3A_334 = arith.cmpf ole, %min3A_329, %slice3A_333 : vector<512x128xf32>
    %min3A_335 = arith.minimumf %min3A_329, %slice3A_333 : vector<512x128xf32>
    %jit3A_336 = arith.constant 2.000000e+00 : f32
    %broadcast_in_dim3A_337 = vector.broadcast %jit3A_336 : f32 to vector<512x128xf32>
    %select_n3A_338 = arith.select %le3A_334, %select_n3A_332, %broadcast_in_dim3A_337 : vector<512x128xi1>, vector<512x128xf32>
    %slice3A_339 = vector.extract_strided_slice %add3A_323 {offsets = [0, 384], sizes = [512, 128], strides = [1, 1]} : vector<512x1024xf32> to vector<512x128xf32>
    %le3A_340 = arith.cmpf ole, %min3A_335, %slice3A_339 : vector<512x128xf32>
    %min3A_341 = arith.minimumf %min3A_335, %slice3A_339 : vector<512x128xf32>
    %jit3A_342 = arith.constant 3.000000e+00 : f32
    %broadcast_in_dim3A_343 = vector.broadcast %jit3A_342 : f32 to vector<512x128xf32>
    %select_n3A_344 = arith.select %le3A_340, %select_n3A_338, %broadcast_in_dim3A_343 : vector<512x128xi1>, vector<512x128xf32>
    %slice3A_345 = vector.extract_strided_slice %add3A_323 {offsets = [0, 512], sizes = [512, 128], strides = [1, 1]} : vector<512x1024xf32> to vector<512x128xf32>
    %le3A_346 = arith.cmpf ole, %min3A_341, %slice3A_345 : vector<512x128xf32>
    %min3A_347 = arith.minimumf %min3A_341, %slice3A_345 : vector<512x128xf32>
    %jit3A_348 = arith.constant 4.000000e+00 : f32
    %broadcast_in_dim3A_349 = vector.broadcast %jit3A_348 : f32 to vector<512x128xf32>
    %select_n3A_350 = arith.select %le3A_346, %select_n3A_344, %broadcast_in_dim3A_349 : vector<512x128xi1>, vector<512x128xf32>
    %slice3A_351 = vector.extract_strided_slice %add3A_323 {offsets = [0, 640], sizes = [512, 128], strides = [1, 1]} : vector<512x1024xf32> to vector<512x128xf32>
    %le3A_352 = arith.cmpf ole, %min3A_347, %slice3A_351 : vector<512x128xf32>
    %min3A_353 = arith.minimumf %min3A_347, %slice3A_351 : vector<512x128xf32>
    %jit3A_354 = arith.constant 5.000000e+00 : f32
    %broadcast_in_dim3A_355 = vector.broadcast %jit3A_354 : f32 to vector<512x128xf32>
    %select_n3A_356 = arith.select %le3A_352, %select_n3A_350, %broadcast_in_dim3A_355 : vector<512x128xi1>, vector<512x128xf32>
    %slice3A_357 = vector.extract_strided_slice %add3A_323 {offsets = [0, 768], sizes = [512, 128], strides = [1, 1]} : vector<512x1024xf32> to vector<512x128xf32>
    %le3A_358 = arith.cmpf ole, %min3A_353, %slice3A_357 : vector<512x128xf32>
    %min3A_359 = arith.minimumf %min3A_353, %slice3A_357 : vector<512x128xf32>
    %jit3A_360 = arith.constant 6.000000e+00 : f32
    %broadcast_in_dim3A_361 = vector.broadcast %jit3A_360 : f32 to vector<512x128xf32>
    %select_n3A_362 = arith.select %le3A_358, %select_n3A_356, %broadcast_in_dim3A_361 : vector<512x128xi1>, vector<512x128xf32>
    %slice3A_363 = vector.extract_strided_slice %add3A_323 {offsets = [0, 896], sizes = [512, 128], strides = [1, 1]} : vector<512x1024xf32> to vector<512x128xf32>
    %le3A_364 = arith.cmpf ole, %min3A_359, %slice3A_363 : vector<512x128xf32>
    %min3A_365 = arith.minimumf %min3A_359, %slice3A_363 : vector<512x128xf32>
    %jit3A_366 = arith.constant 7.000000e+00 : f32
    %broadcast_in_dim3A_367 = vector.broadcast %jit3A_366 : f32 to vector<512x128xf32>
    %select_n3A_368 = arith.select %le3A_364, %select_n3A_362, %broadcast_in_dim3A_367 : vector<512x128xi1>, vector<512x128xf32>
    %reduce_min3A_369 = arith.constant dense<0x7F800000> : vector<512xf32>
    %reduce_min3A_370 = vector.multi_reduction <minimumf>, %min3A_365, %reduce_min3A_369 [1] : vector<512x128xf32> to vector<512xf32>
    %broadcast_in_dim3A_371 = vector.shape_cast %reduce_min3A_370 : vector<512xf32> to vector<512x1xf32>
    %mul3A_372 = arith.constant 1.280000e+02 : f32
    %mul3A_373 = vector.broadcast %mul3A_372 : f32 to vector<512x128xf32>
    %mul3A_374 = arith.mulf %select_n3A_368, %mul3A_373 : vector<512x128xf32>
    %add3A_375 = arith.addf %mul3A_374, %convert_element_type3A : vector<512x128xf32>
    %eq3A_376 = vector.broadcast %broadcast_in_dim3A_371 : vector<512x1xf32> to vector<512x128xf32>
    %eq3A_377 = arith.cmpf oeq, %min3A_365, %eq3A_376 : vector<512x128xf32>
    %jit3A_378 = arith.constant 1.024000e+03 : f32
    %broadcast_in_dim3A_379 = vector.broadcast %jit3A_378 : f32 to vector<512x128xf32>
    %select_n3A_380 = arith.select %eq3A_377, %add3A_375, %broadcast_in_dim3A_379 : vector<512x128xi1>, vector<512x128xf32>
    %reduce_min3A_381 = arith.constant dense<0x7F800000> : vector<512xf32>
    %reduce_min3A_382 = vector.multi_reduction <minimumf>, %select_n3A_380, %reduce_min3A_381 [1] : vector<512x128xf32> to vector<512xf32>
    %broadcast_in_dim3A_383 = vector.shape_cast %reduce_min3A_382 : vector<512xf32> to vector<512x1xf32>
    %lt3A_384 = arith.cmpf olt, %broadcast_in_dim3A_371, %select_n3A_307 : vector<512x1xf32>
    %select_n3A_385 = arith.select %lt3A_384, %broadcast_in_dim3A_371, %select_n3A_307 : vector<512x1xi1>, vector<512x1xf32>
    %add3A_386 = arith.constant 4.096000e+03 : f32
    %add3A_387 = vector.broadcast %add3A_386 : f32 to vector<512x1xf32>
    %add3A_388 = arith.addf %broadcast_in_dim3A_383, %add3A_387 : vector<512x1xf32>
    %select_n3A_389 = arith.select %lt3A_384, %add3A_388, %select_n3A_311 : vector<512x1xi1>, vector<512x1xf32>
    %get3A_390 = arith.constant 5120 : index
    %get3A_391 = arith.constant 0 : index
    %get3A_392 = vector.load %arg2[%get3A_390, %get3A_391] : memref<8192x32xf32, #tpu.memory_space<vmem>>, vector<1024x32xf32>
    %get3A_393 = arith.constant 0 : index
    %get3A_394 = arith.constant 5120 : index
    %get3A_395 = vector.load %arg4[%get3A_393, %get3A_394] : memref<1x8192xf32, #tpu.memory_space<vmem>>, vector<1x1024xf32>
    %dot_general3A_396 = arith.constant dense<0.000000e+00> : vector<512x1024xf32>
    %dot_general3A_397 = tpu.matmul %mul3A_3, %get3A_392, %dot_general3A_396 {dimension_numbers = #tpu.dot_dimension_numbers<[1], [1], [0], [0], [0, 0, 1, 0], [], []>, transpose_lhs_hint = false} : vector<512x32xf32>, vector<1024x32xf32>, vector<512x1024xf32> -> vector<512x1024xf32>
    %add3A_398 = vector.broadcast %get3A_6 : vector<512x1xf32> to vector<512x1024xf32>
    %add3A_399 = arith.addf %add3A_398, %dot_general3A_397 : vector<512x1024xf32>
    %add3A_400 = vector.broadcast %get3A_395 : vector<1x1024xf32> to vector<512x1024xf32>
    %add3A_401 = arith.addf %add3A_399, %add3A_400 : vector<512x1024xf32>
    %slice3A_402 = vector.extract_strided_slice %add3A_401 {offsets = [0, 0], sizes = [512, 128], strides = [1, 1]} : vector<512x1024xf32> to vector<512x128xf32>
    %broadcast_in_dim3A_403 = arith.constant 0.000000e+00 : f32
    %broadcast_in_dim3A_404 = vector.broadcast %broadcast_in_dim3A_403 : f32 to vector<512x128xf32>
    %slice3A_405 = vector.extract_strided_slice %add3A_401 {offsets = [0, 128], sizes = [512, 128], strides = [1, 1]} : vector<512x1024xf32> to vector<512x128xf32>
    %le3A_406 = arith.cmpf ole, %slice3A_402, %slice3A_405 : vector<512x128xf32>
    %min3A_407 = arith.minimumf %slice3A_402, %slice3A_405 : vector<512x128xf32>
    %jit3A_408 = arith.constant 1.000000e+00 : f32
    %broadcast_in_dim3A_409 = vector.broadcast %jit3A_408 : f32 to vector<512x128xf32>
    %select_n3A_410 = arith.select %le3A_406, %broadcast_in_dim3A_404, %broadcast_in_dim3A_409 : vector<512x128xi1>, vector<512x128xf32>
    %slice3A_411 = vector.extract_strided_slice %add3A_401 {offsets = [0, 256], sizes = [512, 128], strides = [1, 1]} : vector<512x1024xf32> to vector<512x128xf32>
    %le3A_412 = arith.cmpf ole, %min3A_407, %slice3A_411 : vector<512x128xf32>
    %min3A_413 = arith.minimumf %min3A_407, %slice3A_411 : vector<512x128xf32>
    %jit3A_414 = arith.constant 2.000000e+00 : f32
    %broadcast_in_dim3A_415 = vector.broadcast %jit3A_414 : f32 to vector<512x128xf32>
    %select_n3A_416 = arith.select %le3A_412, %select_n3A_410, %broadcast_in_dim3A_415 : vector<512x128xi1>, vector<512x128xf32>
    %slice3A_417 = vector.extract_strided_slice %add3A_401 {offsets = [0, 384], sizes = [512, 128], strides = [1, 1]} : vector<512x1024xf32> to vector<512x128xf32>
    %le3A_418 = arith.cmpf ole, %min3A_413, %slice3A_417 : vector<512x128xf32>
    %min3A_419 = arith.minimumf %min3A_413, %slice3A_417 : vector<512x128xf32>
    %jit3A_420 = arith.constant 3.000000e+00 : f32
    %broadcast_in_dim3A_421 = vector.broadcast %jit3A_420 : f32 to vector<512x128xf32>
    %select_n3A_422 = arith.select %le3A_418, %select_n3A_416, %broadcast_in_dim3A_421 : vector<512x128xi1>, vector<512x128xf32>
    %slice3A_423 = vector.extract_strided_slice %add3A_401 {offsets = [0, 512], sizes = [512, 128], strides = [1, 1]} : vector<512x1024xf32> to vector<512x128xf32>
    %le3A_424 = arith.cmpf ole, %min3A_419, %slice3A_423 : vector<512x128xf32>
    %min3A_425 = arith.minimumf %min3A_419, %slice3A_423 : vector<512x128xf32>
    %jit3A_426 = arith.constant 4.000000e+00 : f32
    %broadcast_in_dim3A_427 = vector.broadcast %jit3A_426 : f32 to vector<512x128xf32>
    %select_n3A_428 = arith.select %le3A_424, %select_n3A_422, %broadcast_in_dim3A_427 : vector<512x128xi1>, vector<512x128xf32>
    %slice3A_429 = vector.extract_strided_slice %add3A_401 {offsets = [0, 640], sizes = [512, 128], strides = [1, 1]} : vector<512x1024xf32> to vector<512x128xf32>
    %le3A_430 = arith.cmpf ole, %min3A_425, %slice3A_429 : vector<512x128xf32>
    %min3A_431 = arith.minimumf %min3A_425, %slice3A_429 : vector<512x128xf32>
    %jit3A_432 = arith.constant 5.000000e+00 : f32
    %broadcast_in_dim3A_433 = vector.broadcast %jit3A_432 : f32 to vector<512x128xf32>
    %select_n3A_434 = arith.select %le3A_430, %select_n3A_428, %broadcast_in_dim3A_433 : vector<512x128xi1>, vector<512x128xf32>
    %slice3A_435 = vector.extract_strided_slice %add3A_401 {offsets = [0, 768], sizes = [512, 128], strides = [1, 1]} : vector<512x1024xf32> to vector<512x128xf32>
    %le3A_436 = arith.cmpf ole, %min3A_431, %slice3A_435 : vector<512x128xf32>
    %min3A_437 = arith.minimumf %min3A_431, %slice3A_435 : vector<512x128xf32>
    %jit3A_438 = arith.constant 6.000000e+00 : f32
    %broadcast_in_dim3A_439 = vector.broadcast %jit3A_438 : f32 to vector<512x128xf32>
    %select_n3A_440 = arith.select %le3A_436, %select_n3A_434, %broadcast_in_dim3A_439 : vector<512x128xi1>, vector<512x128xf32>
    %slice3A_441 = vector.extract_strided_slice %add3A_401 {offsets = [0, 896], sizes = [512, 128], strides = [1, 1]} : vector<512x1024xf32> to vector<512x128xf32>
    %le3A_442 = arith.cmpf ole, %min3A_437, %slice3A_441 : vector<512x128xf32>
    %min3A_443 = arith.minimumf %min3A_437, %slice3A_441 : vector<512x128xf32>
    %jit3A_444 = arith.constant 7.000000e+00 : f32
    %broadcast_in_dim3A_445 = vector.broadcast %jit3A_444 : f32 to vector<512x128xf32>
    %select_n3A_446 = arith.select %le3A_442, %select_n3A_440, %broadcast_in_dim3A_445 : vector<512x128xi1>, vector<512x128xf32>
    %reduce_min3A_447 = arith.constant dense<0x7F800000> : vector<512xf32>
    %reduce_min3A_448 = vector.multi_reduction <minimumf>, %min3A_443, %reduce_min3A_447 [1] : vector<512x128xf32> to vector<512xf32>
    %broadcast_in_dim3A_449 = vector.shape_cast %reduce_min3A_448 : vector<512xf32> to vector<512x1xf32>
    %mul3A_450 = arith.constant 1.280000e+02 : f32
    %mul3A_451 = vector.broadcast %mul3A_450 : f32 to vector<512x128xf32>
    %mul3A_452 = arith.mulf %select_n3A_446, %mul3A_451 : vector<512x128xf32>
    %add3A_453 = arith.addf %mul3A_452, %convert_element_type3A : vector<512x128xf32>
    %eq3A_454 = vector.broadcast %broadcast_in_dim3A_449 : vector<512x1xf32> to vector<512x128xf32>
    %eq3A_455 = arith.cmpf oeq, %min3A_443, %eq3A_454 : vector<512x128xf32>
    %jit3A_456 = arith.constant 1.024000e+03 : f32
    %broadcast_in_dim3A_457 = vector.broadcast %jit3A_456 : f32 to vector<512x128xf32>
    %select_n3A_458 = arith.select %eq3A_455, %add3A_453, %broadcast_in_dim3A_457 : vector<512x128xi1>, vector<512x128xf32>
    %reduce_min3A_459 = arith.constant dense<0x7F800000> : vector<512xf32>
    %reduce_min3A_460 = vector.multi_reduction <minimumf>, %select_n3A_458, %reduce_min3A_459 [1] : vector<512x128xf32> to vector<512xf32>
    %broadcast_in_dim3A_461 = vector.shape_cast %reduce_min3A_460 : vector<512xf32> to vector<512x1xf32>
    %lt3A_462 = arith.cmpf olt, %broadcast_in_dim3A_449, %select_n3A_385 : vector<512x1xf32>
    %select_n3A_463 = arith.select %lt3A_462, %broadcast_in_dim3A_449, %select_n3A_385 : vector<512x1xi1>, vector<512x1xf32>
    %add3A_464 = arith.constant 5.120000e+03 : f32
    %add3A_465 = vector.broadcast %add3A_464 : f32 to vector<512x1xf32>
    %add3A_466 = arith.addf %broadcast_in_dim3A_461, %add3A_465 : vector<512x1xf32>
    %select_n3A_467 = arith.select %lt3A_462, %add3A_466, %select_n3A_389 : vector<512x1xi1>, vector<512x1xf32>
    %get3A_468 = arith.constant 6144 : index
    %get3A_469 = arith.constant 0 : index
    %get3A_470 = vector.load %arg2[%get3A_468, %get3A_469] : memref<8192x32xf32, #tpu.memory_space<vmem>>, vector<1024x32xf32>
    %get3A_471 = arith.constant 0 : index
    %get3A_472 = arith.constant 6144 : index
    %get3A_473 = vector.load %arg4[%get3A_471, %get3A_472] : memref<1x8192xf32, #tpu.memory_space<vmem>>, vector<1x1024xf32>
    %dot_general3A_474 = arith.constant dense<0.000000e+00> : vector<512x1024xf32>
    %dot_general3A_475 = tpu.matmul %mul3A_3, %get3A_470, %dot_general3A_474 {dimension_numbers = #tpu.dot_dimension_numbers<[1], [1], [0], [0], [0, 0, 1, 0], [], []>, transpose_lhs_hint = false} : vector<512x32xf32>, vector<1024x32xf32>, vector<512x1024xf32> -> vector<512x1024xf32>
    %add3A_476 = vector.broadcast %get3A_6 : vector<512x1xf32> to vector<512x1024xf32>
    %add3A_477 = arith.addf %add3A_476, %dot_general3A_475 : vector<512x1024xf32>
    %add3A_478 = vector.broadcast %get3A_473 : vector<1x1024xf32> to vector<512x1024xf32>
    %add3A_479 = arith.addf %add3A_477, %add3A_478 : vector<512x1024xf32>
    %slice3A_480 = vector.extract_strided_slice %add3A_479 {offsets = [0, 0], sizes = [512, 128], strides = [1, 1]} : vector<512x1024xf32> to vector<512x128xf32>
    %broadcast_in_dim3A_481 = arith.constant 0.000000e+00 : f32
    %broadcast_in_dim3A_482 = vector.broadcast %broadcast_in_dim3A_481 : f32 to vector<512x128xf32>
    %slice3A_483 = vector.extract_strided_slice %add3A_479 {offsets = [0, 128], sizes = [512, 128], strides = [1, 1]} : vector<512x1024xf32> to vector<512x128xf32>
    %le3A_484 = arith.cmpf ole, %slice3A_480, %slice3A_483 : vector<512x128xf32>
    %min3A_485 = arith.minimumf %slice3A_480, %slice3A_483 : vector<512x128xf32>
    %jit3A_486 = arith.constant 1.000000e+00 : f32
    %broadcast_in_dim3A_487 = vector.broadcast %jit3A_486 : f32 to vector<512x128xf32>
    %select_n3A_488 = arith.select %le3A_484, %broadcast_in_dim3A_482, %broadcast_in_dim3A_487 : vector<512x128xi1>, vector<512x128xf32>
    %slice3A_489 = vector.extract_strided_slice %add3A_479 {offsets = [0, 256], sizes = [512, 128], strides = [1, 1]} : vector<512x1024xf32> to vector<512x128xf32>
    %le3A_490 = arith.cmpf ole, %min3A_485, %slice3A_489 : vector<512x128xf32>
    %min3A_491 = arith.minimumf %min3A_485, %slice3A_489 : vector<512x128xf32>
    %jit3A_492 = arith.constant 2.000000e+00 : f32
    %broadcast_in_dim3A_493 = vector.broadcast %jit3A_492 : f32 to vector<512x128xf32>
    %select_n3A_494 = arith.select %le3A_490, %select_n3A_488, %broadcast_in_dim3A_493 : vector<512x128xi1>, vector<512x128xf32>
    %slice3A_495 = vector.extract_strided_slice %add3A_479 {offsets = [0, 384], sizes = [512, 128], strides = [1, 1]} : vector<512x1024xf32> to vector<512x128xf32>
    %le3A_496 = arith.cmpf ole, %min3A_491, %slice3A_495 : vector<512x128xf32>
    %min3A_497 = arith.minimumf %min3A_491, %slice3A_495 : vector<512x128xf32>
    %jit3A_498 = arith.constant 3.000000e+00 : f32
    %broadcast_in_dim3A_499 = vector.broadcast %jit3A_498 : f32 to vector<512x128xf32>
    %select_n3A_500 = arith.select %le3A_496, %select_n3A_494, %broadcast_in_dim3A_499 : vector<512x128xi1>, vector<512x128xf32>
    %slice3A_501 = vector.extract_strided_slice %add3A_479 {offsets = [0, 512], sizes = [512, 128], strides = [1, 1]} : vector<512x1024xf32> to vector<512x128xf32>
    %le3A_502 = arith.cmpf ole, %min3A_497, %slice3A_501 : vector<512x128xf32>
    %min3A_503 = arith.minimumf %min3A_497, %slice3A_501 : vector<512x128xf32>
    %jit3A_504 = arith.constant 4.000000e+00 : f32
    %broadcast_in_dim3A_505 = vector.broadcast %jit3A_504 : f32 to vector<512x128xf32>
    %select_n3A_506 = arith.select %le3A_502, %select_n3A_500, %broadcast_in_dim3A_505 : vector<512x128xi1>, vector<512x128xf32>
    %slice3A_507 = vector.extract_strided_slice %add3A_479 {offsets = [0, 640], sizes = [512, 128], strides = [1, 1]} : vector<512x1024xf32> to vector<512x128xf32>
    %le3A_508 = arith.cmpf ole, %min3A_503, %slice3A_507 : vector<512x128xf32>
    %min3A_509 = arith.minimumf %min3A_503, %slice3A_507 : vector<512x128xf32>
    %jit3A_510 = arith.constant 5.000000e+00 : f32
    %broadcast_in_dim3A_511 = vector.broadcast %jit3A_510 : f32 to vector<512x128xf32>
    %select_n3A_512 = arith.select %le3A_508, %select_n3A_506, %broadcast_in_dim3A_511 : vector<512x128xi1>, vector<512x128xf32>
    %slice3A_513 = vector.extract_strided_slice %add3A_479 {offsets = [0, 768], sizes = [512, 128], strides = [1, 1]} : vector<512x1024xf32> to vector<512x128xf32>
    %le3A_514 = arith.cmpf ole, %min3A_509, %slice3A_513 : vector<512x128xf32>
    %min3A_515 = arith.minimumf %min3A_509, %slice3A_513 : vector<512x128xf32>
    %jit3A_516 = arith.constant 6.000000e+00 : f32
    %broadcast_in_dim3A_517 = vector.broadcast %jit3A_516 : f32 to vector<512x128xf32>
    %select_n3A_518 = arith.select %le3A_514, %select_n3A_512, %broadcast_in_dim3A_517 : vector<512x128xi1>, vector<512x128xf32>
    %slice3A_519 = vector.extract_strided_slice %add3A_479 {offsets = [0, 896], sizes = [512, 128], strides = [1, 1]} : vector<512x1024xf32> to vector<512x128xf32>
    %le3A_520 = arith.cmpf ole, %min3A_515, %slice3A_519 : vector<512x128xf32>
    %min3A_521 = arith.minimumf %min3A_515, %slice3A_519 : vector<512x128xf32>
    %jit3A_522 = arith.constant 7.000000e+00 : f32
    %broadcast_in_dim3A_523 = vector.broadcast %jit3A_522 : f32 to vector<512x128xf32>
    %select_n3A_524 = arith.select %le3A_520, %select_n3A_518, %broadcast_in_dim3A_523 : vector<512x128xi1>, vector<512x128xf32>
    %reduce_min3A_525 = arith.constant dense<0x7F800000> : vector<512xf32>
    %reduce_min3A_526 = vector.multi_reduction <minimumf>, %min3A_521, %reduce_min3A_525 [1] : vector<512x128xf32> to vector<512xf32>
    %broadcast_in_dim3A_527 = vector.shape_cast %reduce_min3A_526 : vector<512xf32> to vector<512x1xf32>
    %mul3A_528 = arith.constant 1.280000e+02 : f32
    %mul3A_529 = vector.broadcast %mul3A_528 : f32 to vector<512x128xf32>
    %mul3A_530 = arith.mulf %select_n3A_524, %mul3A_529 : vector<512x128xf32>
    %add3A_531 = arith.addf %mul3A_530, %convert_element_type3A : vector<512x128xf32>
    %eq3A_532 = vector.broadcast %broadcast_in_dim3A_527 : vector<512x1xf32> to vector<512x128xf32>
    %eq3A_533 = arith.cmpf oeq, %min3A_521, %eq3A_532 : vector<512x128xf32>
    %jit3A_534 = arith.constant 1.024000e+03 : f32
    %broadcast_in_dim3A_535 = vector.broadcast %jit3A_534 : f32 to vector<512x128xf32>
    %select_n3A_536 = arith.select %eq3A_533, %add3A_531, %broadcast_in_dim3A_535 : vector<512x128xi1>, vector<512x128xf32>
    %reduce_min3A_537 = arith.constant dense<0x7F800000> : vector<512xf32>
    %reduce_min3A_538 = vector.multi_reduction <minimumf>, %select_n3A_536, %reduce_min3A_537 [1] : vector<512x128xf32> to vector<512xf32>
    %broadcast_in_dim3A_539 = vector.shape_cast %reduce_min3A_538 : vector<512xf32> to vector<512x1xf32>
    %lt3A_540 = arith.cmpf olt, %broadcast_in_dim3A_527, %select_n3A_463 : vector<512x1xf32>
    %select_n3A_541 = arith.select %lt3A_540, %broadcast_in_dim3A_527, %select_n3A_463 : vector<512x1xi1>, vector<512x1xf32>
    %add3A_542 = arith.constant 6.144000e+03 : f32
    %add3A_543 = vector.broadcast %add3A_542 : f32 to vector<512x1xf32>
    %add3A_544 = arith.addf %broadcast_in_dim3A_539, %add3A_543 : vector<512x1xf32>
    %select_n3A_545 = arith.select %lt3A_540, %add3A_544, %select_n3A_467 : vector<512x1xi1>, vector<512x1xf32>
    %get3A_546 = arith.constant 7168 : index
    %get3A_547 = arith.constant 0 : index
    %get3A_548 = vector.load %arg2[%get3A_546, %get3A_547] : memref<8192x32xf32, #tpu.memory_space<vmem>>, vector<1024x32xf32>
    %get3A_549 = arith.constant 0 : index
    %get3A_550 = arith.constant 7168 : index
    %get3A_551 = vector.load %arg4[%get3A_549, %get3A_550] : memref<1x8192xf32, #tpu.memory_space<vmem>>, vector<1x1024xf32>
    %dot_general3A_552 = arith.constant dense<0.000000e+00> : vector<512x1024xf32>
    %dot_general3A_553 = tpu.matmul %mul3A_3, %get3A_548, %dot_general3A_552 {dimension_numbers = #tpu.dot_dimension_numbers<[1], [1], [0], [0], [0, 0, 1, 0], [], []>, transpose_lhs_hint = false} : vector<512x32xf32>, vector<1024x32xf32>, vector<512x1024xf32> -> vector<512x1024xf32>
    %add3A_554 = vector.broadcast %get3A_6 : vector<512x1xf32> to vector<512x1024xf32>
    %add3A_555 = arith.addf %add3A_554, %dot_general3A_553 : vector<512x1024xf32>
    %add3A_556 = vector.broadcast %get3A_551 : vector<1x1024xf32> to vector<512x1024xf32>
    %add3A_557 = arith.addf %add3A_555, %add3A_556 : vector<512x1024xf32>
    %slice3A_558 = vector.extract_strided_slice %add3A_557 {offsets = [0, 0], sizes = [512, 128], strides = [1, 1]} : vector<512x1024xf32> to vector<512x128xf32>
    %broadcast_in_dim3A_559 = arith.constant 0.000000e+00 : f32
    %broadcast_in_dim3A_560 = vector.broadcast %broadcast_in_dim3A_559 : f32 to vector<512x128xf32>
    %slice3A_561 = vector.extract_strided_slice %add3A_557 {offsets = [0, 128], sizes = [512, 128], strides = [1, 1]} : vector<512x1024xf32> to vector<512x128xf32>
    %le3A_562 = arith.cmpf ole, %slice3A_558, %slice3A_561 : vector<512x128xf32>
    %min3A_563 = arith.minimumf %slice3A_558, %slice3A_561 : vector<512x128xf32>
    %jit3A_564 = arith.constant 1.000000e+00 : f32
    %broadcast_in_dim3A_565 = vector.broadcast %jit3A_564 : f32 to vector<512x128xf32>
    %select_n3A_566 = arith.select %le3A_562, %broadcast_in_dim3A_560, %broadcast_in_dim3A_565 : vector<512x128xi1>, vector<512x128xf32>
    %slice3A_567 = vector.extract_strided_slice %add3A_557 {offsets = [0, 256], sizes = [512, 128], strides = [1, 1]} : vector<512x1024xf32> to vector<512x128xf32>
    %le3A_568 = arith.cmpf ole, %min3A_563, %slice3A_567 : vector<512x128xf32>
    %min3A_569 = arith.minimumf %min3A_563, %slice3A_567 : vector<512x128xf32>
    %jit3A_570 = arith.constant 2.000000e+00 : f32
    %broadcast_in_dim3A_571 = vector.broadcast %jit3A_570 : f32 to vector<512x128xf32>
    %select_n3A_572 = arith.select %le3A_568, %select_n3A_566, %broadcast_in_dim3A_571 : vector<512x128xi1>, vector<512x128xf32>
    %slice3A_573 = vector.extract_strided_slice %add3A_557 {offsets = [0, 384], sizes = [512, 128], strides = [1, 1]} : vector<512x1024xf32> to vector<512x128xf32>
    %le3A_574 = arith.cmpf ole, %min3A_569, %slice3A_573 : vector<512x128xf32>
    %min3A_575 = arith.minimumf %min3A_569, %slice3A_573 : vector<512x128xf32>
    %jit3A_576 = arith.constant 3.000000e+00 : f32
    %broadcast_in_dim3A_577 = vector.broadcast %jit3A_576 : f32 to vector<512x128xf32>
    %select_n3A_578 = arith.select %le3A_574, %select_n3A_572, %broadcast_in_dim3A_577 : vector<512x128xi1>, vector<512x128xf32>
    %slice3A_579 = vector.extract_strided_slice %add3A_557 {offsets = [0, 512], sizes = [512, 128], strides = [1, 1]} : vector<512x1024xf32> to vector<512x128xf32>
    %le3A_580 = arith.cmpf ole, %min3A_575, %slice3A_579 : vector<512x128xf32>
    %min3A_581 = arith.minimumf %min3A_575, %slice3A_579 : vector<512x128xf32>
    %jit3A_582 = arith.constant 4.000000e+00 : f32
    %broadcast_in_dim3A_583 = vector.broadcast %jit3A_582 : f32 to vector<512x128xf32>
    %select_n3A_584 = arith.select %le3A_580, %select_n3A_578, %broadcast_in_dim3A_583 : vector<512x128xi1>, vector<512x128xf32>
    %slice3A_585 = vector.extract_strided_slice %add3A_557 {offsets = [0, 640], sizes = [512, 128], strides = [1, 1]} : vector<512x1024xf32> to vector<512x128xf32>
    %le3A_586 = arith.cmpf ole, %min3A_581, %slice3A_585 : vector<512x128xf32>
    %min3A_587 = arith.minimumf %min3A_581, %slice3A_585 : vector<512x128xf32>
    %jit3A_588 = arith.constant 5.000000e+00 : f32
    %broadcast_in_dim3A_589 = vector.broadcast %jit3A_588 : f32 to vector<512x128xf32>
    %select_n3A_590 = arith.select %le3A_586, %select_n3A_584, %broadcast_in_dim3A_589 : vector<512x128xi1>, vector<512x128xf32>
    %slice3A_591 = vector.extract_strided_slice %add3A_557 {offsets = [0, 768], sizes = [512, 128], strides = [1, 1]} : vector<512x1024xf32> to vector<512x128xf32>
    %le3A_592 = arith.cmpf ole, %min3A_587, %slice3A_591 : vector<512x128xf32>
    %min3A_593 = arith.minimumf %min3A_587, %slice3A_591 : vector<512x128xf32>
    %jit3A_594 = arith.constant 6.000000e+00 : f32
    %broadcast_in_dim3A_595 = vector.broadcast %jit3A_594 : f32 to vector<512x128xf32>
    %select_n3A_596 = arith.select %le3A_592, %select_n3A_590, %broadcast_in_dim3A_595 : vector<512x128xi1>, vector<512x128xf32>
    %slice3A_597 = vector.extract_strided_slice %add3A_557 {offsets = [0, 896], sizes = [512, 128], strides = [1, 1]} : vector<512x1024xf32> to vector<512x128xf32>
    %le3A_598 = arith.cmpf ole, %min3A_593, %slice3A_597 : vector<512x128xf32>
    %min3A_599 = arith.minimumf %min3A_593, %slice3A_597 : vector<512x128xf32>
    %jit3A_600 = arith.constant 7.000000e+00 : f32
    %broadcast_in_dim3A_601 = vector.broadcast %jit3A_600 : f32 to vector<512x128xf32>
    %select_n3A_602 = arith.select %le3A_598, %select_n3A_596, %broadcast_in_dim3A_601 : vector<512x128xi1>, vector<512x128xf32>
    %reduce_min3A_603 = arith.constant dense<0x7F800000> : vector<512xf32>
    %reduce_min3A_604 = vector.multi_reduction <minimumf>, %min3A_599, %reduce_min3A_603 [1] : vector<512x128xf32> to vector<512xf32>
    %broadcast_in_dim3A_605 = vector.shape_cast %reduce_min3A_604 : vector<512xf32> to vector<512x1xf32>
    %mul3A_606 = arith.constant 1.280000e+02 : f32
    %mul3A_607 = vector.broadcast %mul3A_606 : f32 to vector<512x128xf32>
    %mul3A_608 = arith.mulf %select_n3A_602, %mul3A_607 : vector<512x128xf32>
    %add3A_609 = arith.addf %mul3A_608, %convert_element_type3A : vector<512x128xf32>
    %eq3A_610 = vector.broadcast %broadcast_in_dim3A_605 : vector<512x1xf32> to vector<512x128xf32>
    %eq3A_611 = arith.cmpf oeq, %min3A_599, %eq3A_610 : vector<512x128xf32>
    %jit3A_612 = arith.constant 1.024000e+03 : f32
    %broadcast_in_dim3A_613 = vector.broadcast %jit3A_612 : f32 to vector<512x128xf32>
    %select_n3A_614 = arith.select %eq3A_611, %add3A_609, %broadcast_in_dim3A_613 : vector<512x128xi1>, vector<512x128xf32>
    %reduce_min3A_615 = arith.constant dense<0x7F800000> : vector<512xf32>
    %reduce_min3A_616 = vector.multi_reduction <minimumf>, %select_n3A_614, %reduce_min3A_615 [1] : vector<512x128xf32> to vector<512xf32>
    %broadcast_in_dim3A_617 = vector.shape_cast %reduce_min3A_616 : vector<512xf32> to vector<512x1xf32>
    %lt3A_618 = arith.cmpf olt, %broadcast_in_dim3A_605, %select_n3A_541 : vector<512x1xf32>
    %select_n3A_619 = arith.select %lt3A_618, %broadcast_in_dim3A_605, %select_n3A_541 : vector<512x1xi1>, vector<512x1xf32>
    %add3A_620 = arith.constant 7.168000e+03 : f32
    %add3A_621 = vector.broadcast %add3A_620 : f32 to vector<512x1xf32>
    %add3A_622 = arith.addf %broadcast_in_dim3A_617, %add3A_621 : vector<512x1xf32>
    %select_n3A_623 = arith.select %lt3A_618, %add3A_622, %select_n3A_545 : vector<512x1xi1>, vector<512x1xf32>
    %convert_element_type3A_624 = arith.fptosi %select_n3A_623 : vector<512x1xf32> to vector<512x1xi32>
    %swap3A = arith.constant 0 : index
    %swap3A_625 = arith.constant 0 : index
    %swap3A_626 = vector.load %arg5[%swap3A, %swap3A_625] : memref<512x1xi32, #tpu.memory_space<vmem>>, vector<512x1xi32>
    tpu.vector_store %arg5[%swap3A, %swap3A_625], %convert_element_type3A_624 {strides = array<i32>} : memref<512x1xi32, #tpu.memory_space<vmem>>, vector<512x1xi32>,
    %reduce_sum3A = vector.shape_cast %select_n3A_619 : vector<512x1xf32> to vector<1x512x1xf32>
    %reduce_sum3A_627 = arith.constant dense<0.000000e+00> : vector<1xf32>
    %reduce_sum3A_628 = vector.multi_reduction <add>, %reduce_sum3A, %reduce_sum3A_627 [1, 2] : vector<1x512x1xf32> to vector<1xf32>
    %reduce_sum3A_629 = vector.shape_cast %reduce_sum3A_628 : vector<1xf32> to vector<1x1x1xf32>
    %reduce_sum3A_630 = vector.extract %reduce_sum3A_629[0, 0, 0] : f32 from vector<1x1x1xf32>
    %mul3A_631 = arith.constant 4.76837158E-6 : f32
    %mul3A_632 = arith.mulf %reduce_sum3A_630, %mul3A_631 : f32
    %eq3A_633 = arith.constant 0 : i32
    %eq3A_634 = arith.cmpi eq, %arg0, %eq3A_633 : i32
    %convert_element_type3A_635 = arith.extui %eq3A_634 : i1 to i32
    %cond3A = arith.constant 0 : i32
    %cond3A_636 = arith.cmpi ne, %convert_element_type3A_635, %cond3A : i32
    scf.if %cond3A_636 {
      %swap3A_644 = arith.constant 0.000000e+00 : f32
      %swap3A_645 = arith.constant 0 : index
      %swap3A_646 = arith.constant 0 : index
      %swap3A_647 = memref.load %arg6[%swap3A_645, %swap3A_646] : memref<1x1xf32, #tpu.memory_space<smem>>
      memref.store %swap3A_644, %arg6[%swap3A_645, %swap3A_646] : memref<1x1xf32, #tpu.memory_space<smem>>
    } else {
    }
    %get3A_637 = arith.constant 0 : index
    %get3A_638 = arith.constant 0 : index
    %get3A_639 = memref.load %arg6[%get3A_637, %get3A_638] : memref<1x1xf32, #tpu.memory_space<smem>>
    %add3A_640 = arith.addf %get3A_639, %mul3A_632 : f32
    %swap3A_641 = arith.constant 0 : index
    %swap3A_642 = arith.constant 0 : index
    %swap3A_643 = memref.load %arg6[%swap3A_641, %swap3A_642] : memref<1x1xf32, #tpu.memory_space<smem>>
    memref.store %add3A_640, %arg6[%swap3A_641, %swap3A_642] : memref<1x1xf32, #tpu.memory_space<smem>>
    return
  }
  func.func @transform_0(%arg0: i32) -> (i32, i32) {
    %c0_i32 = arith.constant 0 : i32
    %c0_i32_0 = arith.constant 0 : i32
    return %arg0, %c0_i32 : i32, i32
  }
  func.func @transform_1(%arg0: i32) -> (i32, i32) {
    %c0_i32 = arith.constant 0 : i32
    %c0_i32_0 = arith.constant 0 : i32
    %c0_i32_1 = arith.constant 0 : i32
    return %c0_i32, %c0_i32_0 : i32, i32
  }
  func.func @transform_2(%arg0: i32) -> (i32, i32) {
    %c0_i32 = arith.constant 0 : i32
    %c0_i32_0 = arith.constant 0 : i32
    return %arg0, %c0_i32 : i32, i32
  }
  func.func @transform_3(%arg0: i32) -> (i32, i32) {
    %c0_i32 = arith.constant 0 : i32
    %c0_i32_0 = arith.constant 0 : i32
    %c0_i32_1 = arith.constant 0 : i32
    return %c0_i32, %c0_i32_0 : i32, i32
  }
  func.func @transform_4(%arg0: i32) -> (i32, i32) {
    %c0_i32 = arith.constant 0 : i32
    %c0_i32_0 = arith.constant 0 : i32
    return %arg0, %c0_i32 : i32, i32
  }
  func.func @transform_5(%arg0: i32) -> (i32, i32) {
    %c0_i32 = arith.constant 0 : i32
    %c0_i32_0 = arith.constant 0 : i32
    %c0_i32_1 = arith.constant 0 : i32
    return %c0_i32, %c0_i32_0 : i32, i32
  }
}

</mosaic_0001>

<sc_bundles>
// kernel: kernel.4.cloned.1.call-start
scs
__scs_entry_jumppad:
0x0: {  	(pc) =	sbr.rel $0x88, $3  }
0x1: {  	(tag) =	ssettag $0x0;
	lr =	simm.s32 $0x1  }
0x2: {  	[smem:$0x3F9F] =	sst lr;
	_ =	strace $0xD0000000  }
0x3: {  	_ = 	snop  }
0x4: {  	_ = 	snop  }
0x5: {  	_ = 	snop  }
0x6: {  	_ = 	snop  }
0x7: {  	_ = 	snop  }
__scs_overlays_trampoline_lowered:
0x8: {  	[smem:$0x3FAE] =	sst s0  }
0x9: {  	[smem:$0x3FAF] =	sst s1  }
0xa: {  	[smem:$0x3FB0] =	sst s2  }
0xb: {  	[smem:$0x3FB1] =	sst s3  }
0xc: {  	[smem:$0x3FB2] =	sst s4  }
0xd: {  	[smem:$0x3FB3] =	sst s5  }
0xe: {  	[smem:$0x3FB4] =	sst s6  }
0xf: {  	[smem:$0x3FB5] =	sst s7  }
0x10: {  	[smem:$0x3FB6] =	sst s8  }
0x11: {  	[smem:$0x3FB7] =	sst s9;
	s0 =	simm.s32 @!p0 $0x0  }
0x12: {  	s1 =	sld [smem:$0x3F9D];
	s0 =	simm.s32 @p0 $0x1  }
0x13: {  	[smem:$0x3FB8] =	sst s0;
	s0 =	simm.s32 @!p1 $0x0  }
0x14: {  	s2 =	sld [smem:$0x3F9C];
	s0 =	simm.s32 @p1 $0x1  }
0x15: {  	[smem:$0x3FB9] =	sst s0;
	s0 =	simm.s32 @!p2 $0x0  }
0x16: {  	s3 =	sld [smem:$0x3FDB];
	s0 =	simm.s32 @p2 $0x1  }
0x17: {  	s4 =	simm.s32 $0x1BF5;
	[smem:$0x3FBB] =	sst s0  }
0x18: {  	s0 =	sld [smem:$0x3F9E];
	_ =	swait.ge [sflag:s4], $0x0  }
0x19: {  	s7 =	sld [smem:$0x3F9F]  }
0x1a: {  	s8 =	sadd.s32 $0xFFFFE003, lr  }
0x1b: {  	s9 =	sadd.s32 $0xFFFFFEF7, lr;
	s5 =	simm.s32 $0xFFFFFFFF;
	p2 =	slt.u32 s8, $0xFFFFF086  }
0x1c: {  	p1 =	slt.u32 s9, $0xF7A;
	s5 =	simm.s32 @!p2 $0x0  }
0x1d: {  	s5 =	simm.s32 @p1 $0x1;
	p0 =	seq.s32 s7, s2  }
0x1e: {  	s7 =	smul.u32 @!p0 $0xF7A, s2;
	p2 =	seq.s32 @!p0 s5, $0x0  }
0x1f: {  	s9 =	smul.u32 $0xF7A, s1;
	s8 =	simm.s32 @!p0 $0x1BF5;
	p2 =	por !p2, p0  }
0x20: {  	[sflag:s8] =	ssyncset.s32 @!p0 $0xFFFFF086;
	s6 =	sadd.s32 @!p0 s3, s7;
	s7 =	simm.s32 @!p0 $0x108  }
0x21: {  	s3 =	sadd.s32 s3, s9;
	s6 =	sadd.s32 @!p0 $0x88, s6;
	s7 =	simm.s32 @p2 $0x1082  }
0x22: {  	[simem:s7], [sflag:s8] =	dma.local @!p0 [hbm:s6], $0xF7A  }
0x23: {  	s9 =	sor.u32 $0xD0000000, s2;
	s6 =	simm.s32 $0x108;
	_ =	swait.ge @!p0 [sflag:s8], $0x0  }
0x24: {  	s3 =	sadd.s32 $0x88, s3;
	s6 =	simm.s32 @!p1 $0x1082;
	[sflag:s4] =	ssyncset.s32 $0xFFFFF086  }
0x25: {  	[simem:s6], [sflag:s4] =	dma.local [hbm:s3], $0xF7A  }
0x26: {  	[smem:$0x3F9F] =	sst s1;
	(tag) =	ssettag s2;
	_ =	strace s9  }
0x27: {  	s1 =	sld [smem:$0x3FAF]  }
0x28: {  	s2 =	sld [smem:$0x3FB0]  }
0x29: {  	s4 =	sld [smem:$0x3FB2]  }
0x2a: {  	p0 =	seq.s32 s5, $0x0;
	s5 =	sld [smem:$0x3FB3]  }
0x2b: {  	s6 =	sld [smem:$0x3FB4]  }
0x2c: {  	s7 =	sld [smem:$0x3FB5]  }
0x2d: {  	s3 =	simm.s32 $0x108;
	s8 =	sld [smem:$0x3FB6]  }
0x2e: {  	s3 =	simm.s32 @!p0 $0x1082;
	s9 =	sld [smem:$0x3FB7]  }
0x2f: {  	lr =	sadd.s32 s0, s3;
	s0 =	sld [smem:$0x3FAE]  }
0x30: {  	s3 =	sld [smem:$0x3FB1]  }
0x31: {  	[smem:$0x3FBA] =	sst s10  }
0x32: {  	s10 =	sld [smem:$0x3FB8];
	_ =	sdelay $0x3  }
0x33: {  	p0 =	seq.s32 s10, $0x1;
	s10 =	sld [smem:$0x3FBA];
	_ =	sdelay $0x3  }
0x34: {  	[smem:$0x3FBA] =	sst s10  }
0x35: {  	s10 =	sld [smem:$0x3FB9];
	_ =	sdelay $0x3  }
0x36: {  	p1 =	seq.s32 s10, $0x1;
	s10 =	sld [smem:$0x3FBA];
	_ =	sdelay $0x3  }
0x37: {  	[smem:$0x3FBA] =	sst s10  }
0x38: {  	s10 =	sld [smem:$0x3FBB]  }
0x39: {  	_ = 	snop;
	(pc) =	sbr.ind lr, $3  }
0x3a: {  	_ = 	snop  }
0x3b: {  	_ = 	snop  }
0x3c: {  	p2 =	seq.s32 s10, $0x1;
	s10 =	sld [smem:$0x3FBA]  }
0x3d: {  	_ =	shalt  }
0x3e: {  	_ =	shalt  }
0x3f: {  	_ =	shalt  }
0x40: {  	_ =	shalt  }
0x41: {  	_ =	shalt  }
0x42: {  	_ =	shalt  }
0x43: {  	_ =	shalt  }
0x44: {  	_ =	shalt  }
0x45: {  	_ =	shalt  }
0x46: {  	_ =	shalt  }
0x47: {  	_ =	shalt  }
0x48: {  	_ =	shalt  }
0x49: {  	_ =	shalt  }
0x4a: {  	_ =	shalt  }
0x4b: {  	_ =	shalt  }
0x4c: {  	_ =	shalt  }
0x4d: {  	_ =	shalt  }
0x4e: {  	_ =	shalt  }
0x4f: {  	_ =	shalt  }
0x50: {  	_ =	shalt  }
0x51: {  	_ =	shalt  }
0x52: {  	_ =	shalt  }
0x53: {  	_ =	shalt  }
0x54: {  	_ =	shalt  }
0x55: {  	_ =	shalt  }
0x56: {  	_ =	shalt  }
0x57: {  	_ =	shalt  }
0x58: {  	_ =	shalt  }
0x59: {  	_ =	shalt  }
0x5a: {  	_ =	shalt  }
0x5b: {  	_ =	shalt  }
0x5c: {  	_ =	shalt  }
0x5d: {  	_ =	shalt  }
0x5e: {  	_ =	shalt  }
0x5f: {  	_ =	shalt  }
0x60: {  	_ =	shalt  }
0x61: {  	_ =	shalt  }
0x62: {  	_ =	shalt  }
0x63: {  	_ =	shalt  }
0x64: {  	_ =	shalt  }
0x65: {  	_ =	shalt  }
0x66: {  	_ =	shalt  }
0x67: {  	_ =	shalt  }
0x68: {  	_ =	shalt  }
0x69: {  	_ =	shalt  }
0x6a: {  	_ =	shalt  }
0x6b: {  	_ =	shalt  }
0x6c: {  	_ =	shalt  }
0x6d: {  	_ =	shalt  }
0x6e: {  	_ =	shalt  }
0x6f: {  	_ =	shalt  }
0x70: {  	_ =	shalt  }
0x71: {  	_ =	shalt  }
0x72: {  	_ =	shalt  }
0x73: {  	_ =	shalt  }
0x74: {  	_ =	shalt  }
0x75: {  	_ =	shalt  }
0x76: {  	_ =	shalt  }
0x77: {  	_ =	shalt  }
0x78: {  	_ =	shalt  }
0x79: {  	_ =	shalt  }
0x7a: {  	_ =	shalt  }
0x7b: {  	_ =	shalt  }
0x7c: {  	_ =	shalt  }
0x7d: {  	_ =	shalt  }
0x7e: {  	_ =	shalt  }
0x7f: {  	_ =	shalt  }
0x80: {  	_ =	shalt  }
0x81: {  	_ =	shalt  }
0x82: {  	_ =	shalt  }
0x83: {  	_ =	shalt  }
0x84: {  	_ =	shalt  }
0x85: {  	_ =	shalt  }
0x86: {  	_ =	shalt  }
0x87: {  	_ =	shalt  }
.Lfunc_end0:
.L_simem_size_0:
called_computation_lowered:
.L_overlay_start_0:
0x88: {  	s2 =	sld [smem:$0x3FD9]  }
0x89: {  	s3 =	sld [smem:$0x3FFE];
	_ =	sdelay $0x1  }
0x8a: {  	s1 =	srdreg.scid  }
0x8b: {  	s0 =	sand.u32 $0x1, s1  }
0x8c: {  	s14 =	sshll.u32 s0, $0xA;
	s2 =	sadd.s32 s3, s2  }
0x8d: {  	s2 =	sadd.s32 s2, s14  }
0x8e: {  	[smem:$0x3FC6] =	sst s2  }
0x8f: {  	_ = 	snop  }
0x90: {  	s2 =	sld [smem:$0x3FD0];
	_ =	sdelay $0x2  }
0x91: {  	s15 =	simm.s32 $0xA;
	s4 =	simm.s32 $0x10  }
0x92: {  	[smem:s4], [sflag:s15] =	dma.local [hbm:s2], $0x1  }
0x93: {  	_ =	swait.eq [sflag:s15], $0x1  }
0x94: {  	[sflag:s15] =	ssyncset.done $0x0  }
0x95: {  	[sflag:s15] =	ssyncadd.s32 $0xFFFFFFFF  }
0x96: {  	s16 =	sld [smem:$0x10];
	(tm) =	ssettm $0x1  }
0x97: {  	s17 =	sld [smem:$0x3FFB];
	_ =	sdelay $0x3  }
0x98: {  	_ =	strace s17  }
0x99: {  	s3 =	sld [smem:$0x3FFC];
	_ =	sdelay $0x3  }
0x9a: {  	_ =	strace s3  }
0x9b: {  	s3 =	sld [smem:$0x3FFD];
	_ =	sdelay $0x3  }
0x9c: {  	_ =	strace s3  }
0x9d: {  	_ =	strace $0x8FFFFFFF  }
0x9e: {  	s18 =	sld [smem:$0x3FDB];
	_ =	sdelay $0x1  }
0x9f: {  	s19 =	simm.s32 $_scs_section_size  }
0xa0: {  	s5 =	simm.s32 $_size__tile_overlayer_lowered;
	s6 =	simm.s32 $_tile_overlayer_lowered  }
0xa1: {  	s22 =	simm.s32 $0x1BFF;
	s21 =	sshll.u32 s6, $0x1;
	s3 =	sadd.s32 s19, s18  }
0xa2: {  	s7 =	simm.s32 $0x0;
	s20 =	sshll.u32 s5, $0x1;
	s5 =	sadd.s32 s21, s3  }
0xa3: {  	[timem:s7], [sflag:s22] =	dma.local [hbm:s5], s20  }
0xa4: {  	_ =	swait.ge [sflag:s22], s20  }
0xa5: {  	s4 =	ssub.s32 $0x0, s20;
	[sflag:s22] =	ssyncset.done $0x0  }
0xa6: {  	[sflag:s22] =	ssyncadd.s32 s4;
	_ =	sdelay $0x1  }
0xa7: {  	s23 =	simm.s32 $0x1B8B  }
0xa8: {  	_ =	swait.ge [sflag:s23], $0x1  }
0xa9: {  	[sflag:s23] =	ssyncset.done $0x0  }
0xaa: {  	s25 =	simm.s32 $0x1B8E;
	s24 =	sld [smem:$0x3FFE];
	[sflag:s23] =	ssyncadd.s32 $0xFFFFFFFF  }
0xab: {  	s26 =	simm.s32 $execute0_lowered;
	[smem:$0x3FD2] =	sst s25  }
0xac: {  	s5 =	sshll.u32 s26, $0x1;
	_ =	strace $0x80000046;
	[dreg:$0x1] =	wrdreg $0xFFFFFFFF  }
0xad: {  	s28 =	simm.s32 $_size_execute0_lowered;
	s3 =	sadd.s32 s3, s5;
	[dreg:$0x0] =	wrdreg $0x0  }
0xae: {  	s5 =	sshll.u32 s28, $0x1;
	[dreg:$0x2] =	wrdreg s3  }
0xaf: {  	[dreg:$0x3] =	wrdreg s5  }
0xb0: {  	[dreg:$0x4] =	wrdreg $0xC0  }
0xb1: {  	_ =	task [dreg:s7], $0x5FFFF  }
0xb2: {  	[dreg:$0x1] =	wrdreg $0xFFFFFFFF  }
0xb3: {  	[dreg:$0x0] =	wrdreg $0x60  }
0xb4: {  	[dreg:$0x2] =	wrdreg s16  }
0xb5: {  	[dreg:$0x3] =	wrdreg s24  }
0xb6: {  	[dreg:$0x4] =	wrdreg $0x9  }
0xb7: {  	_ =	task.clear_ibuf [dreg:s7], $0x5FFFF;
	_ =	strace $0x90000046  }
0xb8: {  	s29 =	simm.s32 $0x9;
	_ =	strace $0x80000048  }
0xb9: {  	_ =	swait.ge [sflag:s29], $0x1  }
0xba: {  	[sflag:s29] =	ssyncadd.s32 $0xFFFFFFFF  }
0xbb: {  	_ =	strace $0x90000048  }
0xbc: {  	_ =	sfence  }
0xbd: {  	s30 =	sld [smem:$0x0];
	_ =	sdelay $0x2  }
0xbe: {  	s31 =	sshll.u32 s1, $0xD;
	s1 =	sshrl.u32 s1, $0x2  }
0xbf: {  	s3 =	sand.u32 $0x4000, s31;
	s1 =	sadd.s32 s1, s30  }
0xc0: {  	s0 =	sor.u32 s3, s0;
	s1 =	sshll.u32 s1, $0x11  }
0xc1: {  	s0 =	sor.u32 s1, s0  }
0xc2: {  	s0 =	sadd.s32 $0x8F2B, s0  }
0xc3: {  	[sflag:s0] =	ssyncadd.remote.s32 $0x1  }
0xc4: {  	_ =	sfence.sel $0xFFFF  }
0xc5: {  	[dreg:$0x0] =	wrdreg $0xFFFFFFFF;
	(pc) =	sbr.abs _section_cstart, $3  }
0xc6: {  	[dreg:$0x1] =	wrdreg $0xFFFFFFFF  }
0xc7: {  	_ =	task.clear_ibuf [dreg:s7], $0x2FFFF;
	_ =	strace $0x9FFFFFFF  }
0xc8: {  	(tm) =	ssettm $0x7FFFFFFF  }
0xc9: {  	_ =	shalt  }
tec
execute0_lowered:
.L_overlay_start_1:
0x0: {  	(tag) =	ssettag $0x1  }
0x1: {  	s1 =	srdreg.scid;
	s2 =	rddreg [dreg:$0x0]  }
0x2: {  	s0 =	stileid.u32;
	s8 =	rddreg [dreg:$0x1];
	s6 =	sand.u32 $0x1, s1  }
0x3: {  	s3 =	simm.s32 $0x0;
	s4 =	sshll.u32 s0, $0x9;
	s5 =	sshll.u32 s6, $0x8  }
0x4: {  	s7 =	simm.s32 $0x1;
	[smem:$0x7FF] =	sst s3;
	s9 =	sor.u32 s5, s4  }
0x5: {  	s1 =	rddreg [dreg:$0x2];
	_ =	strace $0x80000047;
	s4 =	sshrl.u32 s9, $0x3  }
0x6: {  	s10 =	ssub.s32 $0x2, s6;
	s5 =	sadd.s32 s8, s4;
	s4 =	simm.s32 $0x2  }
0x7: {  	[tilespmem:s3], [sflag:$0x2] =	stream.linear.gather [hbm4b:s5+s3], $0x100, $0x38;
	[tilespmem:$0x2100] =	vst v63  }
0x8: {  	s6 =	simm.s32 $0x100;
	s11 =	sshrl.u32 s10, $0x1;
	_ =	swait.ge [sflag:s4], $0x100  }
0x9: {  	s9 =	sshll.u32 s9, $0x2;
	s31 =	ssub.s32 s10, s11;
	[sflag:s4] =	ssyncset.done $0x0  }
0xa: {  	s8 =	sadd.s32 s9, s8;
	s9 =	smax.u32 s31, $0x1;
	[sflag:s4] =	ssyncadd.s32 $0xFFFFFF00  }
0xb: {  	[tilespmem:s6], [sflag:$0x1] =	stream.indirect.gather [hbm4b:s2+s6], $0x20, s3, s6, $0xb8;
	[tilespmem:$0x2100] =	vst v63  }
0xc: {  	p0 =	sne.s32 s9, $0x1;
	_ =	swait.ge [sflag:s7], $0x2000  }
.Ltmp0:
0xd: {  	[sflag:s7] =	ssyncset.done $0x0;
	(pc) =	sbr.rel @!p0 .LBB2_2-.Ltmp0, $4  }
0xe: {  	s8 =	sadd.s32 $0x400, s8;
	[sflag:s7] =	ssyncadd.s32 $0xFFFFE000  }
0xf: {  	[hbm4b:s8+s3] =	stream.linear.scatter [tilespmem:s6], [sflag:$0x2], $0x2000, $0x38;
	[tilespmem:$0x2100] =	vst v63  }
0x10: {  	_ =	swait.ge [sflag:s4], $0x2000  }
0x11: {  	s9 =	sadd.s32 $0xFFFFFFFF, s9;
	[sflag:s4] =	ssyncset.done $0x0  }
.LBB2_1:
0x12: {  	p0 =	sne.s32 s9, $0x1;
	s9 =	sadd.s32 $0xFFFFFFFF, s9;
	[sflag:s4] =	ssyncadd.s32 $0xFFFFE000  }
0x13: {  	[tilespmem:s3], [sflag:$0x2] =	stream.linear.gather [hbm4b:s5+s3], $0x100, $0x38;
	[tilespmem:$0x2100] =	vst v63  }
0x14: {  	_ =	swait.ge [sflag:s4], $0x100  }
0x15: {  	[sflag:s4] =	ssyncset.done $0x0  }
0x16: {  	[sflag:s4] =	ssyncadd.s32 $0xFFFFFF00  }
0x17: {  	[tilespmem:s6], [sflag:$0x1] =	stream.indirect.gather [hbm4b:s2+s6], $0x20, s3, s6, $0xb8;
	[tilespmem:$0x2100] =	vst v63  }
0x18: {  	_ =	swait.ge [sflag:s7], $0x2000  }
.Ltmp1:
0x19: {  	[sflag:s7] =	ssyncset.done $0x0;
	(pc) =	sbr.rel @p0 .LBB2_1-.Ltmp1, $4  }
0x1a: {  	[sflag:s7] =	ssyncadd.s32 $0xFFFFE000  }
0x1b: {  	[hbm4b:s8+s3] =	stream.linear.scatter [tilespmem:s6], [sflag:$0x2], $0x2000, $0x38;
	[tilespmem:$0x2100] =	vst v63  }
0x1c: {  	_ =	swait.ge [sflag:s4], $0x2000  }
0x1d: {  	[sflag:s4] =	ssyncset.done $0x0  }
.LBB2_2:
0x1e: {  	[sflag:s4] =	ssyncadd.s32 $0xFFFFE000  }
0x1f: {  	_ =	sfence.sel $0x180000  }
0x20: {  	[bflag:$0x0] =	sbarrier.arrive $0xFFFF  }
0x21: {  	p0 =	sne.s32 s0, $0x0;
	_ =	strace $0x90000047  }
0x22: {  	s0 =	sadd.s32 @!p0 $0x100000, s1;
	[bflag:$0x2] =	sbarrier.arrive $0xFFFF  }
0x23: {  	[sflag:s0] =	ssyncadd.tile.s32 @!p0 $0x1;
	_ =	shalt  }
.Lfunc_end2:
_tile_overlayer_lowered:
.L_overlay_start_2:
0x24: {  	(tag) =	ssettag $0x2  }
0x25: {  	s0 =	rddreg [dreg:$0x0];
	s2 =	stileid.u32  }
0x26: {  	s1 =	rddreg [dreg:$0x1];
	p0 =	sne.s32 s2, $0x0  }
0x27: {  	s3 =	rddreg [dreg:$0x2];
	[bflag:$0x3] =	sbarrier.arrive $0xFFFF;
	s2 =	simm.s32 @!p0 $0x1C02  }
0x28: {  	[timem:s3], [sflag:s2] =	dma.local @!p0 [hbm:s0], s1  }
0x29: {  	s0 =	simm.s32 @!p0 $0x2  }
0x2a: {  	_ =	swait.ge @!p0 [sflag:s0], s1  }
0x2b: {  	s1 =	ssub.s32 @!p0 $0x0, s1;
	[sflag:s0] =	ssyncset.done @!p0 $0x0  }
0x2c: {  	[sflag:s0] =	ssyncadd.s32 @!p0 s1  }
0x2d: {  	[bflag:$0x3] =	sbarrier.arrive $0xFFFF  }
0x2e: {  	_ =	shalt  }

</sc_bundles>
